<compile_context>
chip_gen: v7x
topology: tpu7x:2x2x1
jax: 0.10.2.dev20260603
libtpu: 0.0.44.dev20260713+nightly
codegen_flags: <defaults>
</compile_context>

<pallas_src>
import functools

import jax
import jax.numpy as jnp
from jax import lax
from jax.experimental import pallas as pl
from jax.experimental.pallas import tpu as pltpu
from jax.experimental.pallas import tpu_sc as plsc

B = 16384
D = 1000
KTC = 600
NC = 2
NS = 16
NW = NC * NS
COLS_PER_W = B // NW
RCHUNK = 120
CHUNKS = [(KTC + c * RCHUNK, min(RCHUNK, D - KTC - c * RCHUNK))
          for c in range((D - KTC + RCHUNK - 1) // RCHUNK)]
GROUPS = COLS_PER_W // 16
UNROLL = 4

_mesh = plsc.VectorSubcoreMesh(core_axis_name="c", subcore_axis_name="s")


@functools.partial(
    pl.kernel,
    out_type=jax.ShapeDtypeStruct((D, B), jnp.float32),
    mesh=_mesh,
    scratch_types=[
        pltpu.VMEM((COLS_PER_W,), jnp.int32),
        pltpu.VMEM((RCHUNK, COLS_PER_W), jnp.float32),
        pltpu.VMEM((RCHUNK, COLS_PER_W), jnp.float32),
        pltpu.SemaphoreType.DMA,
        pltpu.SemaphoreType.DMA,
    ],
    compiler_params=pltpu.CompilerParams(needs_layout_passes=False),
)
def _onehot_sc(x_hbm, out_hbm, idx_v, buf0, buf1, sem0, sem1):
    wid = lax.axis_index("s") * NC + lax.axis_index("c")
    col_base = wid * COLS_PER_W
    pltpu.sync_copy(x_hbm.at[pl.ds(col_base, COLS_PER_W)], idx_v)

    bufs = (buf0, buf1)
    sems = (sem0, sem1)
    z16 = jnp.zeros((16,), jnp.float32)
    ones16 = jnp.ones((16,), jnp.float32)
    iota16 = lax.iota(jnp.int32, 16)

    def _zero(buf):
        def _zero_row(r, carry):
            for j in range(COLS_PER_W // 16):
                buf[r, pl.ds(j * 16, 16)] = z16
            return carry

        lax.fori_loop(0, RCHUNK, _zero_row, 0)

    def _scatter(buf, r0, size, val):
        usize = jnp.full((16,), size, jnp.uint32)

        def _step(i, carry):
            for k in range(UNROLL):
                off = (i * UNROLL + k) * 16
                x16 = idx_v[pl.ds(off, 16)]
                rows = x16 - r0
                mask = plsc.bitcast(rows, jnp.uint32) < usize
                cols = iota16 + off
                plsc.store_scatter(buf, [rows, cols], val, mask=mask)
            return carry

        lax.fori_loop(0, GROUPS // UNROLL, _step, 0)

    def _start(b, r0, size):
        return pltpu.async_copy(
            bufs[b].at[pl.ds(0, size)],
            out_hbm.at[pl.ds(r0, size), pl.ds(col_base, COLS_PER_W)],
            sems[b],
        )

    _zero(bufs[0])
    r0, size = CHUNKS[0]
    _scatter(bufs[0], r0, size, ones16)
    handles = [_start(0, r0, size), None]
    pending = [(r0, size), None]
    _zero(bufs[1])

    for i in range(1, len(CHUNKS)):
        b = i % 2
        if pending[b] is not None:
            handles[b].wait()
            pr0, psize = pending[b]
            _scatter(bufs[b], pr0, psize, z16)
        r0, size = CHUNKS[i]
        _scatter(bufs[b], r0, size, ones16)
        handles[b] = _start(b, r0, size)
        pending[b] = (r0, size)

    handles[0].wait()
    if handles[1] is not None:
        handles[1].wait()


RB = 120
CB = 2048


def _tc_body(x_ref, _, o_ref):
    r = pl.program_id(0)
    rows = lax.broadcasted_iota(jnp.int32, (RB, CB), 0) + r * RB
    o_ref[...] = (rows == x_ref[...][None, :]).astype(jnp.float32)


def _tc_fill(x, buf):
    return pl.pallas_call(
        _tc_body,
        grid=(KTC // RB, B // CB),
        in_specs=[
            pl.BlockSpec((CB,), lambda r, c: (c,)),
            pl.BlockSpec(memory_space=pl.ANY),
        ],
        out_specs=pl.BlockSpec((RB, CB), lambda r, c: (r, c)),
        out_shape=jax.ShapeDtypeStruct((D, B), jnp.float32),
        input_output_aliases={1: 0},
    )(x, buf)


def kernel(x):
    xi = x.astype(jnp.int32)
    return _tc_fill(xi, _onehot_sc(xi)).T

# --- scband reference (transcript-rebuilt; emitter-appended) ---
"""Pipeline reference for scband-one-hot-layer-75685913690716 (READ-ONLY COPY).

The authoritative reference and input builder live on the scoring server;
editing this copy changes nothing except your own understanding.
"""

import jax, jax.numpy as jnp
import numpy as np

INPUT_DIM = 1000

def setup_inputs(seed: int = 0) -> dict:
    key = jax.random.key(seed)
    x = jax.random.randint(key, (16384,), 0, 1000, dtype=jnp.int64)
    return {"x": x}

def reference(x) -> jnp.ndarray:
    # Faithful translation of tf.one_hot(tf.cast(x, tf.int32), depth=input_dim).
    # jax.nn.one_hot performs the same comparison-based expansion and returns float32.
    return jax.nn.one_hot(x.astype(jnp.int32), INPUT_DIM, dtype=jnp.float32)

if __name__ == "__main__":
    import jax
    _d = setup_inputs()
    print(jax.jit(kernel)(*tuple(_d.values())))

</pallas_src>

<mosaic_0001>
#map = affine_map<(d0, d1) -> (0)>
#map1 = affine_map<(d0, d1) -> (0, 0)>
module attributes {stable_mosaic.version = 14 : i64} {
  func.func @_onehot_sc(%arg0: i32, %arg1: i32, %arg2: memref<16384xi32, #tpu.memory_space<hbm>>, %arg3: memref<1000x16384xf32, #tpu.memory_space<hbm>>, %arg4: memref<512xi32, #tpu.memory_space<vmem>>, %arg5: memref<120x512xf32, #tpu.memory_space<vmem>>, %arg6: memref<120x512xf32, #tpu.memory_space<vmem>>, %arg7: memref<!tpu.dma_semaphore, #tpu.memory_space<semaphore_mem>>, %arg8: memref<!tpu.dma_semaphore, #tpu.memory_space<semaphore_mem>>) attributes {dimension_semantics = [#tpu.dimension_semantics<core_parallel>, #tpu.dimension_semantics<subcore_parallel>], iteration_bounds = array<i64: 2, 16>, scalar_prefetch = 0 : i64, scratch_operands = 5 : i64, tpu.core_type = #tpu.core_type<sc_vector_subcore>, window_params = [{transform_indices = #map}, {transform_indices = #map1}]} {
    %mul3A = arith.constant 2 : i32
    %mul3A_0 = arith.muli %arg1, %mul3A : i32
    %add3A = arith.addi %mul3A_0, %arg0 : i32
    %mul3A_1 = arith.constant 512 : i32
    %mul3A_2 = arith.muli %add3A, %mul3A_1 : i32
    "tpu.region"() ({
      %run_scoped3A = tpu.sem_alloc : memref<!tpu.dma_semaphore, #tpu.memory_space<semaphore_mem>>
      %dma_start3A_143 = tpu.memref_slice %arg2[%mul3A_2] : memref<16384xi32, #tpu.memory_space<hbm>> -> memref<512xi32, #tpu.memory_space<hbm>>
      %dma_start3A_144 = tpu.memref_slice %arg2[%mul3A_2] : memref<16384xi32, #tpu.memory_space<hbm>> -> memref<512xi32, #tpu.memory_space<hbm>>
      tpu.enqueue_dma source(%dma_start3A_144 : memref<512xi32, #tpu.memory_space<hbm>>) target(%arg4 : memref<512xi32, #tpu.memory_space<vmem>>) target_semaphore(%run_scoped3A : memref<!tpu.dma_semaphore, #tpu.memory_space<semaphore_mem>>)
      %dma_wait3A_145 = tpu.memref_slice %arg2[%mul3A_2] : memref<16384xi32, #tpu.memory_space<hbm>> -> memref<512xi32, #tpu.memory_space<hbm>>
      %dma_wait3A_146 = tpu.memref_slice %arg2[%mul3A_2] : memref<16384xi32, #tpu.memory_space<hbm>> -> memref<512xi32, #tpu.memory_space<hbm>>
      tpu.wait_dma2 semaphore(%run_scoped3A : memref<!tpu.dma_semaphore, #tpu.memory_space<semaphore_mem>>) src(%dma_wait3A_146 : memref<512xi32, #tpu.memory_space<hbm>>) dst(%arg4 : memref<512xi32, #tpu.memory_space<vmem>>)
      tpu.yield
    }) : () -> ()
    %broadcast_in_dim3A = arith.constant 0.000000e+00 : f32
    %broadcast_in_dim3A_3 = vector.broadcast %broadcast_in_dim3A : f32 to vector<16xf32>
    %broadcast_in_dim3A_4 = arith.constant 1.000000e+00 : f32
    %broadcast_in_dim3A_5 = vector.broadcast %broadcast_in_dim3A_4 : f32 to vector<16xf32>
    %iota3A = tpu.iota {dimensions = array<i32: 0>} : vector<16xi32>
    %scan3A = arith.constant 0 : i32
    %scan3A_6 = arith.constant 0 : i32
    %scan3A_7 = arith.constant 120 : i32
    %scan3A_8 = arith.addi %scan3A_6, %scan3A_7 : i32
    %scan3A_9 = arith.constant 1 : i32
    scf.for %scan3A_143 = %scan3A_6 to %scan3A_8 step %scan3A_9  : i32 {
      %swap3A = arith.index_cast %scan3A_143 : i32 to index
      %swap3A_144 = arith.constant 0 : index
      %swap3A_145 = tpu.vector_load %arg5[%swap3A, %swap3A_144] {strides = array<i32>} : memref<120x512xf32, #tpu.memory_space<vmem>>, vector<16xf32>,
      tpu.vector_store %arg5[%swap3A, %swap3A_144], %broadcast_in_dim3A_3 {strides = array<i32>} : memref<120x512xf32, #tpu.memory_space<vmem>>, vector<16xf32>,
      %swap3A_146 = arith.index_cast %scan3A_143 : i32 to index
      %swap3A_147 = arith.constant 16 : index
      %swap3A_148 = tpu.vector_load %arg5[%swap3A_146, %swap3A_147] {strides = array<i32>} : memref<120x512xf32, #tpu.memory_space<vmem>>, vector<16xf32>,
      tpu.vector_store %arg5[%swap3A_146, %swap3A_147], %broadcast_in_dim3A_3 {strides = array<i32>} : memref<120x512xf32, #tpu.memory_space<vmem>>, vector<16xf32>,
      %swap3A_149 = arith.index_cast %scan3A_143 : i32 to index
      %swap3A_150 = arith.constant 32 : index
      %swap3A_151 = tpu.vector_load %arg5[%swap3A_149, %swap3A_150] {strides = array<i32>} : memref<120x512xf32, #tpu.memory_space<vmem>>, vector<16xf32>,
      tpu.vector_store %arg5[%swap3A_149, %swap3A_150], %broadcast_in_dim3A_3 {strides = array<i32>} : memref<120x512xf32, #tpu.memory_space<vmem>>, vector<16xf32>,
      %swap3A_152 = arith.index_cast %scan3A_143 : i32 to index
      %swap3A_153 = arith.constant 48 : index
      %swap3A_154 = tpu.vector_load %arg5[%swap3A_152, %swap3A_153] {strides = array<i32>} : memref<120x512xf32, #tpu.memory_space<vmem>>, vector<16xf32>,
      tpu.vector_store %arg5[%swap3A_152, %swap3A_153], %broadcast_in_dim3A_3 {strides = array<i32>} : memref<120x512xf32, #tpu.memory_space<vmem>>, vector<16xf32>,
      %swap3A_155 = arith.index_cast %scan3A_143 : i32 to index
      %swap3A_156 = arith.constant 64 : index
      %swap3A_157 = tpu.vector_load %arg5[%swap3A_155, %swap3A_156] {strides = array<i32>} : memref<120x512xf32, #tpu.memory_space<vmem>>, vector<16xf32>,
      tpu.vector_store %arg5[%swap3A_155, %swap3A_156], %broadcast_in_dim3A_3 {strides = array<i32>} : memref<120x512xf32, #tpu.memory_space<vmem>>, vector<16xf32>,
      %swap3A_158 = arith.index_cast %scan3A_143 : i32 to index
      %swap3A_159 = arith.constant 80 : index
      %swap3A_160 = tpu.vector_load %arg5[%swap3A_158, %swap3A_159] {strides = array<i32>} : memref<120x512xf32, #tpu.memory_space<vmem>>, vector<16xf32>,
      tpu.vector_store %arg5[%swap3A_158, %swap3A_159], %broadcast_in_dim3A_3 {strides = array<i32>} : memref<120x512xf32, #tpu.memory_space<vmem>>, vector<16xf32>,
      %swap3A_161 = arith.index_cast %scan3A_143 : i32 to index
      %swap3A_162 = arith.constant 96 : index
      %swap3A_163 = tpu.vector_load %arg5[%swap3A_161, %swap3A_162] {strides = array<i32>} : memref<120x512xf32, #tpu.memory_space<vmem>>, vector<16xf32>,
      tpu.vector_store %arg5[%swap3A_161, %swap3A_162], %broadcast_in_dim3A_3 {strides = array<i32>} : memref<120x512xf32, #tpu.memory_space<vmem>>, vector<16xf32>,
      %swap3A_164 = arith.index_cast %scan3A_143 : i32 to index
      %swap3A_165 = arith.constant 112 : index
      %swap3A_166 = tpu.vector_load %arg5[%swap3A_164, %swap3A_165] {strides = array<i32>} : memref<120x512xf32, #tpu.memory_space<vmem>>, vector<16xf32>,
      tpu.vector_store %arg5[%swap3A_164, %swap3A_165], %broadcast_in_dim3A_3 {strides = array<i32>} : memref<120x512xf32, #tpu.memory_space<vmem>>, vector<16xf32>,
      %swap3A_167 = arith.index_cast %scan3A_143 : i32 to index
      %swap3A_168 = arith.constant 128 : index
      %swap3A_169 = tpu.vector_load %arg5[%swap3A_167, %swap3A_168] {strides = array<i32>} : memref<120x512xf32, #tpu.memory_space<vmem>>, vector<16xf32>,
      tpu.vector_store %arg5[%swap3A_167, %swap3A_168], %broadcast_in_dim3A_3 {strides = array<i32>} : memref<120x512xf32, #tpu.memory_space<vmem>>, vector<16xf32>,
      %swap3A_170 = arith.index_cast %scan3A_143 : i32 to index
      %swap3A_171 = arith.constant 144 : index
      %swap3A_172 = tpu.vector_load %arg5[%swap3A_170, %swap3A_171] {strides = array<i32>} : memref<120x512xf32, #tpu.memory_space<vmem>>, vector<16xf32>,
      tpu.vector_store %arg5[%swap3A_170, %swap3A_171], %broadcast_in_dim3A_3 {strides = array<i32>} : memref<120x512xf32, #tpu.memory_space<vmem>>, vector<16xf32>,
      %swap3A_173 = arith.index_cast %scan3A_143 : i32 to index
      %swap3A_174 = arith.constant 160 : index
      %swap3A_175 = tpu.vector_load %arg5[%swap3A_173, %swap3A_174] {strides = array<i32>} : memref<120x512xf32, #tpu.memory_space<vmem>>, vector<16xf32>,
      tpu.vector_store %arg5[%swap3A_173, %swap3A_174], %broadcast_in_dim3A_3 {strides = array<i32>} : memref<120x512xf32, #tpu.memory_space<vmem>>, vector<16xf32>,
      %swap3A_176 = arith.index_cast %scan3A_143 : i32 to index
      %swap3A_177 = arith.constant 176 : index
      %swap3A_178 = tpu.vector_load %arg5[%swap3A_176, %swap3A_177] {strides = array<i32>} : memref<120x512xf32, #tpu.memory_space<vmem>>, vector<16xf32>,
      tpu.vector_store %arg5[%swap3A_176, %swap3A_177], %broadcast_in_dim3A_3 {strides = array<i32>} : memref<120x512xf32, #tpu.memory_space<vmem>>, vector<16xf32>,
      %swap3A_179 = arith.index_cast %scan3A_143 : i32 to index
      %swap3A_180 = arith.constant 192 : index
      %swap3A_181 = tpu.vector_load %arg5[%swap3A_179, %swap3A_180] {strides = array<i32>} : memref<120x512xf32, #tpu.memory_space<vmem>>, vector<16xf32>,
      tpu.vector_store %arg5[%swap3A_179, %swap3A_180], %broadcast_in_dim3A_3 {strides = array<i32>} : memref<120x512xf32, #tpu.memory_space<vmem>>, vector<16xf32>,
      %swap3A_182 = arith.index_cast %scan3A_143 : i32 to index
      %swap3A_183 = arith.constant 208 : index
      %swap3A_184 = tpu.vector_load %arg5[%swap3A_182, %swap3A_183] {strides = array<i32>} : memref<120x512xf32, #tpu.memory_space<vmem>>, vector<16xf32>,
      tpu.vector_store %arg5[%swap3A_182, %swap3A_183], %broadcast_in_dim3A_3 {strides = array<i32>} : memref<120x512xf32, #tpu.memory_space<vmem>>, vector<16xf32>,
      %swap3A_185 = arith.index_cast %scan3A_143 : i32 to index
      %swap3A_186 = arith.constant 224 : index
      %swap3A_187 = tpu.vector_load %arg5[%swap3A_185, %swap3A_186] {strides = array<i32>} : memref<120x512xf32, #tpu.memory_space<vmem>>, vector<16xf32>,
      tpu.vector_store %arg5[%swap3A_185, %swap3A_186], %broadcast_in_dim3A_3 {strides = array<i32>} : memref<120x512xf32, #tpu.memory_space<vmem>>, vector<16xf32>,
      %swap3A_188 = arith.index_cast %scan3A_143 : i32 to index
      %swap3A_189 = arith.constant 240 : index
      %swap3A_190 = tpu.vector_load %arg5[%swap3A_188, %swap3A_189] {strides = array<i32>} : memref<120x512xf32, #tpu.memory_space<vmem>>, vector<16xf32>,
      tpu.vector_store %arg5[%swap3A_188, %swap3A_189], %broadcast_in_dim3A_3 {strides = array<i32>} : memref<120x512xf32, #tpu.memory_space<vmem>>, vector<16xf32>,
      %swap3A_191 = arith.index_cast %scan3A_143 : i32 to index
      %swap3A_192 = arith.constant 256 : index
      %swap3A_193 = tpu.vector_load %arg5[%swap3A_191, %swap3A_192] {strides = array<i32>} : memref<120x512xf32, #tpu.memory_space<vmem>>, vector<16xf32>,
      tpu.vector_store %arg5[%swap3A_191, %swap3A_192], %broadcast_in_dim3A_3 {strides = array<i32>} : memref<120x512xf32, #tpu.memory_space<vmem>>, vector<16xf32>,
      %swap3A_194 = arith.index_cast %scan3A_143 : i32 to index
      %swap3A_195 = arith.constant 272 : index
      %swap3A_196 = tpu.vector_load %arg5[%swap3A_194, %swap3A_195] {strides = array<i32>} : memref<120x512xf32, #tpu.memory_space<vmem>>, vector<16xf32>,
      tpu.vector_store %arg5[%swap3A_194, %swap3A_195], %broadcast_in_dim3A_3 {strides = array<i32>} : memref<120x512xf32, #tpu.memory_space<vmem>>, vector<16xf32>,
      %swap3A_197 = arith.index_cast %scan3A_143 : i32 to index
      %swap3A_198 = arith.constant 288 : index
      %swap3A_199 = tpu.vector_load %arg5[%swap3A_197, %swap3A_198] {strides = array<i32>} : memref<120x512xf32, #tpu.memory_space<vmem>>, vector<16xf32>,
      tpu.vector_store %arg5[%swap3A_197, %swap3A_198], %broadcast_in_dim3A_3 {strides = array<i32>} : memref<120x512xf32, #tpu.memory_space<vmem>>, vector<16xf32>,
      %swap3A_200 = arith.index_cast %scan3A_143 : i32 to index
      %swap3A_201 = arith.constant 304 : index
      %swap3A_202 = tpu.vector_load %arg5[%swap3A_200, %swap3A_201] {strides = array<i32>} : memref<120x512xf32, #tpu.memory_space<vmem>>, vector<16xf32>,
      tpu.vector_store %arg5[%swap3A_200, %swap3A_201], %broadcast_in_dim3A_3 {strides = array<i32>} : memref<120x512xf32, #tpu.memory_space<vmem>>, vector<16xf32>,
      %swap3A_203 = arith.index_cast %scan3A_143 : i32 to index
      %swap3A_204 = arith.constant 320 : index
      %swap3A_205 = tpu.vector_load %arg5[%swap3A_203, %swap3A_204] {strides = array<i32>} : memref<120x512xf32, #tpu.memory_space<vmem>>, vector<16xf32>,
      tpu.vector_store %arg5[%swap3A_203, %swap3A_204], %broadcast_in_dim3A_3 {strides = array<i32>} : memref<120x512xf32, #tpu.memory_space<vmem>>, vector<16xf32>,
      %swap3A_206 = arith.index_cast %scan3A_143 : i32 to index
      %swap3A_207 = arith.constant 336 : index
      %swap3A_208 = tpu.vector_load %arg5[%swap3A_206, %swap3A_207] {strides = array<i32>} : memref<120x512xf32, #tpu.memory_space<vmem>>, vector<16xf32>,
      tpu.vector_store %arg5[%swap3A_206, %swap3A_207], %broadcast_in_dim3A_3 {strides = array<i32>} : memref<120x512xf32, #tpu.memory_space<vmem>>, vector<16xf32>,
      %swap3A_209 = arith.index_cast %scan3A_143 : i32 to index
      %swap3A_210 = arith.constant 352 : index
      %swap3A_211 = tpu.vector_load %arg5[%swap3A_209, %swap3A_210] {strides = array<i32>} : memref<120x512xf32, #tpu.memory_space<vmem>>, vector<16xf32>,
      tpu.vector_store %arg5[%swap3A_209, %swap3A_210], %broadcast_in_dim3A_3 {strides = array<i32>} : memref<120x512xf32, #tpu.memory_space<vmem>>, vector<16xf32>,
      %swap3A_212 = arith.index_cast %scan3A_143 : i32 to index
      %swap3A_213 = arith.constant 368 : index
      %swap3A_214 = tpu.vector_load %arg5[%swap3A_212, %swap3A_213] {strides = array<i32>} : memref<120x512xf32, #tpu.memory_space<vmem>>, vector<16xf32>,
      tpu.vector_store %arg5[%swap3A_212, %swap3A_213], %broadcast_in_dim3A_3 {strides = array<i32>} : memref<120x512xf32, #tpu.memory_space<vmem>>, vector<16xf32>,
      %swap3A_215 = arith.index_cast %scan3A_143 : i32 to index
      %swap3A_216 = arith.constant 384 : index
      %swap3A_217 = tpu.vector_load %arg5[%swap3A_215, %swap3A_216] {strides = array<i32>} : memref<120x512xf32, #tpu.memory_space<vmem>>, vector<16xf32>,
      tpu.vector_store %arg5[%swap3A_215, %swap3A_216], %broadcast_in_dim3A_3 {strides = array<i32>} : memref<120x512xf32, #tpu.memory_space<vmem>>, vector<16xf32>,
      %swap3A_218 = arith.index_cast %scan3A_143 : i32 to index
      %swap3A_219 = arith.constant 400 : index
      %swap3A_220 = tpu.vector_load %arg5[%swap3A_218, %swap3A_219] {strides = array<i32>} : memref<120x512xf32, #tpu.memory_space<vmem>>, vector<16xf32>,
      tpu.vector_store %arg5[%swap3A_218, %swap3A_219], %broadcast_in_dim3A_3 {strides = array<i32>} : memref<120x512xf32, #tpu.memory_space<vmem>>, vector<16xf32>,
      %swap3A_221 = arith.index_cast %scan3A_143 : i32 to index
      %swap3A_222 = arith.constant 416 : index
      %swap3A_223 = tpu.vector_load %arg5[%swap3A_221, %swap3A_222] {strides = array<i32>} : memref<120x512xf32, #tpu.memory_space<vmem>>, vector<16xf32>,
      tpu.vector_store %arg5[%swap3A_221, %swap3A_222], %broadcast_in_dim3A_3 {strides = array<i32>} : memref<120x512xf32, #tpu.memory_space<vmem>>, vector<16xf32>,
      %swap3A_224 = arith.index_cast %scan3A_143 : i32 to index
      %swap3A_225 = arith.constant 432 : index
      %swap3A_226 = tpu.vector_load %arg5[%swap3A_224, %swap3A_225] {strides = array<i32>} : memref<120x512xf32, #tpu.memory_space<vmem>>, vector<16xf32>,
      tpu.vector_store %arg5[%swap3A_224, %swap3A_225], %broadcast_in_dim3A_3 {strides = array<i32>} : memref<120x512xf32, #tpu.memory_space<vmem>>, vector<16xf32>,
      %swap3A_227 = arith.index_cast %scan3A_143 : i32 to index
      %swap3A_228 = arith.constant 448 : index
      %swap3A_229 = tpu.vector_load %arg5[%swap3A_227, %swap3A_228] {strides = array<i32>} : memref<120x512xf32, #tpu.memory_space<vmem>>, vector<16xf32>,
      tpu.vector_store %arg5[%swap3A_227, %swap3A_228], %broadcast_in_dim3A_3 {strides = array<i32>} : memref<120x512xf32, #tpu.memory_space<vmem>>, vector<16xf32>,
      %swap3A_230 = arith.index_cast %scan3A_143 : i32 to index
      %swap3A_231 = arith.constant 464 : index
      %swap3A_232 = tpu.vector_load %arg5[%swap3A_230, %swap3A_231] {strides = array<i32>} : memref<120x512xf32, #tpu.memory_space<vmem>>, vector<16xf32>,
      tpu.vector_store %arg5[%swap3A_230, %swap3A_231], %broadcast_in_dim3A_3 {strides = array<i32>} : memref<120x512xf32, #tpu.memory_space<vmem>>, vector<16xf32>,
      %swap3A_233 = arith.index_cast %scan3A_143 : i32 to index
      %swap3A_234 = arith.constant 480 : index
      %swap3A_235 = tpu.vector_load %arg5[%swap3A_233, %swap3A_234] {strides = array<i32>} : memref<120x512xf32, #tpu.memory_space<vmem>>, vector<16xf32>,
      tpu.vector_store %arg5[%swap3A_233, %swap3A_234], %broadcast_in_dim3A_3 {strides = array<i32>} : memref<120x512xf32, #tpu.memory_space<vmem>>, vector<16xf32>,
      %swap3A_236 = arith.index_cast %scan3A_143 : i32 to index
      %swap3A_237 = arith.constant 496 : index
      %swap3A_238 = tpu.vector_load %arg5[%swap3A_236, %swap3A_237] {strides = array<i32>} : memref<120x512xf32, #tpu.memory_space<vmem>>, vector<16xf32>,
      tpu.vector_store %arg5[%swap3A_236, %swap3A_237], %broadcast_in_dim3A_3 {strides = array<i32>} : memref<120x512xf32, #tpu.memory_space<vmem>>, vector<16xf32>,
    }
    %scan3A_10 = arith.constant 120 : i32
    %broadcast_in_dim3A_11 = arith.constant 120 : i32
    %broadcast_in_dim3A_12 = vector.broadcast %broadcast_in_dim3A_11 : i32 to vector<16xi32>
    %scan3A_13 = arith.constant 0 : i32
    %scan3A_14 = arith.constant 0 : i32
    %scan3A_15 = arith.constant 8 : i32
    %scan3A_16 = arith.addi %scan3A_14, %scan3A_15 : i32
    %scan3A_17 = arith.constant 1 : i32
    scf.for %scan3A_143 = %scan3A_14 to %scan3A_16 step %scan3A_17  : i32 {
      %mul3A_144 = arith.constant 4 : i32
      %mul3A_145 = arith.muli %scan3A_143, %mul3A_144 : i32
      %add3A_146 = arith.constant 0 : i32
      %add3A_147 = arith.addi %mul3A_145, %add3A_146 : i32
      %mul3A_148 = arith.constant 16 : i32
      %mul3A_149 = arith.muli %add3A_147, %mul3A_148 : i32
      %get3A = arith.index_cast %mul3A_149 : i32 to index
      %get3A_150 = tpu.vector_load %arg4[%get3A] {strides = array<i32>} : memref<512xi32, #tpu.memory_space<vmem>>, vector<16xi32>,
      %sub3A = arith.constant 600 : i32
      %sub3A_151 = vector.broadcast %sub3A : i32 to vector<16xi32>
      %sub3A_152 = arith.subi %get3A_150, %sub3A_151 : vector<16xi32>
      %bitcast3A = vector.bitcast %sub3A_152 : vector<16xi32> to vector<16xi32>
      %lt3A = arith.cmpi ult, %bitcast3A, %broadcast_in_dim3A_12 : vector<16xi32>
      %add3A_153 = vector.broadcast %mul3A_149 : i32 to vector<16xi32>
      %add3A_154 = arith.addi %iota3A, %add3A_153 : vector<16xi32>
      tpu.vector_store_idx %arg5[%sub3A_152, %add3A_154], %broadcast_in_dim3A_5 masked %lt3A : memref<120x512xf32, #tpu.memory_space<vmem>>[vector<16xi32>, vector<16xi32>], vector<16xf32>, vector<16xi1>
      %mul3A_155 = arith.constant 4 : i32
      %mul3A_156 = arith.muli %scan3A_143, %mul3A_155 : i32
      %add3A_157 = arith.constant 1 : i32
      %add3A_158 = arith.addi %mul3A_156, %add3A_157 : i32
      %mul3A_159 = arith.constant 16 : i32
      %mul3A_160 = arith.muli %add3A_158, %mul3A_159 : i32
      %get3A_161 = arith.index_cast %mul3A_160 : i32 to index
      %get3A_162 = tpu.vector_load %arg4[%get3A_161] {strides = array<i32>} : memref<512xi32, #tpu.memory_space<vmem>>, vector<16xi32>,
      %sub3A_163 = arith.constant 600 : i32
      %sub3A_164 = vector.broadcast %sub3A_163 : i32 to vector<16xi32>
      %sub3A_165 = arith.subi %get3A_162, %sub3A_164 : vector<16xi32>
      %bitcast3A_166 = vector.bitcast %sub3A_165 : vector<16xi32> to vector<16xi32>
      %lt3A_167 = arith.cmpi ult, %bitcast3A_166, %broadcast_in_dim3A_12 : vector<16xi32>
      %add3A_168 = vector.broadcast %mul3A_160 : i32 to vector<16xi32>
      %add3A_169 = arith.addi %iota3A, %add3A_168 : vector<16xi32>
      tpu.vector_store_idx %arg5[%sub3A_165, %add3A_169], %broadcast_in_dim3A_5 masked %lt3A_167 : memref<120x512xf32, #tpu.memory_space<vmem>>[vector<16xi32>, vector<16xi32>], vector<16xf32>, vector<16xi1>
      %mul3A_170 = arith.constant 4 : i32
      %mul3A_171 = arith.muli %scan3A_143, %mul3A_170 : i32
      %add3A_172 = arith.constant 2 : i32
      %add3A_173 = arith.addi %mul3A_171, %add3A_172 : i32
      %mul3A_174 = arith.constant 16 : i32
      %mul3A_175 = arith.muli %add3A_173, %mul3A_174 : i32
      %get3A_176 = arith.index_cast %mul3A_175 : i32 to index
      %get3A_177 = tpu.vector_load %arg4[%get3A_176] {strides = array<i32>} : memref<512xi32, #tpu.memory_space<vmem>>, vector<16xi32>,
      %sub3A_178 = arith.constant 600 : i32
      %sub3A_179 = vector.broadcast %sub3A_178 : i32 to vector<16xi32>
      %sub3A_180 = arith.subi %get3A_177, %sub3A_179 : vector<16xi32>
      %bitcast3A_181 = vector.bitcast %sub3A_180 : vector<16xi32> to vector<16xi32>
      %lt3A_182 = arith.cmpi ult, %bitcast3A_181, %broadcast_in_dim3A_12 : vector<16xi32>
      %add3A_183 = vector.broadcast %mul3A_175 : i32 to vector<16xi32>
      %add3A_184 = arith.addi %iota3A, %add3A_183 : vector<16xi32>
      tpu.vector_store_idx %arg5[%sub3A_180, %add3A_184], %broadcast_in_dim3A_5 masked %lt3A_182 : memref<120x512xf32, #tpu.memory_space<vmem>>[vector<16xi32>, vector<16xi32>], vector<16xf32>, vector<16xi1>
      %mul3A_185 = arith.constant 4 : i32
      %mul3A_186 = arith.muli %scan3A_143, %mul3A_185 : i32
      %add3A_187 = arith.constant 3 : i32
      %add3A_188 = arith.addi %mul3A_186, %add3A_187 : i32
      %mul3A_189 = arith.constant 16 : i32
      %mul3A_190 = arith.muli %add3A_188, %mul3A_189 : i32
      %get3A_191 = arith.index_cast %mul3A_190 : i32 to index
      %get3A_192 = tpu.vector_load %arg4[%get3A_191] {strides = array<i32>} : memref<512xi32, #tpu.memory_space<vmem>>, vector<16xi32>,
      %sub3A_193 = arith.constant 600 : i32
      %sub3A_194 = vector.broadcast %sub3A_193 : i32 to vector<16xi32>
      %sub3A_195 = arith.subi %get3A_192, %sub3A_194 : vector<16xi32>
      %bitcast3A_196 = vector.bitcast %sub3A_195 : vector<16xi32> to vector<16xi32>
      %lt3A_197 = arith.cmpi ult, %bitcast3A_196, %broadcast_in_dim3A_12 : vector<16xi32>
      %add3A_198 = vector.broadcast %mul3A_190 : i32 to vector<16xi32>
      %add3A_199 = arith.addi %iota3A, %add3A_198 : vector<16xi32>
      tpu.vector_store_idx %arg5[%sub3A_195, %add3A_199], %broadcast_in_dim3A_5 masked %lt3A_197 : memref<120x512xf32, #tpu.memory_space<vmem>>[vector<16xi32>, vector<16xi32>], vector<16xf32>, vector<16xi1>
    }
    %scan3A_18 = arith.constant 8 : i32
    %dma_start3A = arith.constant 0 : i32
    %dma_start3A_19 = arith.constant 0 : i32
    %dma_start3A_20 = tpu.memref_slice %arg5[%dma_start3A, %dma_start3A_19] : memref<120x512xf32, #tpu.memory_space<vmem>> -> memref<120x512xf32, #tpu.memory_space<vmem>>
    %dma_start3A_21 = arith.constant 600 : i32
    %dma_start3A_22 = tpu.memref_slice %arg3[%dma_start3A_21, %mul3A_2] : memref<1000x16384xf32, #tpu.memory_space<hbm>> -> memref<120x512xf32, #tpu.memory_space<hbm>>
    %dma_start3A_23 = arith.constant 600 : i32
    %dma_start3A_24 = tpu.memref_slice %arg3[%dma_start3A_23, %mul3A_2] : memref<1000x16384xf32, #tpu.memory_space<hbm>> -> memref<120x512xf32, #tpu.memory_space<hbm>>
    %dma_start3A_25 = arith.constant 0 : i32
    %dma_start3A_26 = arith.constant 0 : i32
    %dma_start3A_27 = tpu.memref_slice %arg5[%dma_start3A_25, %dma_start3A_26] : memref<120x512xf32, #tpu.memory_space<vmem>> -> memref<120x512xf32, #tpu.memory_space<vmem>>
    tpu.enqueue_dma source(%dma_start3A_27 : memref<120x512xf32, #tpu.memory_space<vmem>>) target(%dma_start3A_24 : memref<120x512xf32, #tpu.memory_space<hbm>>) target_semaphore(%arg7 : memref<!tpu.dma_semaphore, #tpu.memory_space<semaphore_mem>>)
    %scan3A_28 = arith.constant 0 : i32
    %scan3A_29 = arith.constant 0 : i32
    %scan3A_30 = arith.constant 120 : i32
    %scan3A_31 = arith.addi %scan3A_29, %scan3A_30 : i32
    %scan3A_32 = arith.constant 1 : i32
    scf.for %scan3A_143 = %scan3A_29 to %scan3A_31 step %scan3A_32  : i32 {
      %swap3A = arith.index_cast %scan3A_143 : i32 to index
      %swap3A_144 = arith.constant 0 : index
      %swap3A_145 = tpu.vector_load %arg6[%swap3A, %swap3A_144] {strides = array<i32>} : memref<120x512xf32, #tpu.memory_space<vmem>>, vector<16xf32>,
      tpu.vector_store %arg6[%swap3A, %swap3A_144], %broadcast_in_dim3A_3 {strides = array<i32>} : memref<120x512xf32, #tpu.memory_space<vmem>>, vector<16xf32>,
      %swap3A_146 = arith.index_cast %scan3A_143 : i32 to index
      %swap3A_147 = arith.constant 16 : index
      %swap3A_148 = tpu.vector_load %arg6[%swap3A_146, %swap3A_147] {strides = array<i32>} : memref<120x512xf32, #tpu.memory_space<vmem>>, vector<16xf32>,
      tpu.vector_store %arg6[%swap3A_146, %swap3A_147], %broadcast_in_dim3A_3 {strides = array<i32>} : memref<120x512xf32, #tpu.memory_space<vmem>>, vector<16xf32>,
      %swap3A_149 = arith.index_cast %scan3A_143 : i32 to index
      %swap3A_150 = arith.constant 32 : index
      %swap3A_151 = tpu.vector_load %arg6[%swap3A_149, %swap3A_150] {strides = array<i32>} : memref<120x512xf32, #tpu.memory_space<vmem>>, vector<16xf32>,
      tpu.vector_store %arg6[%swap3A_149, %swap3A_150], %broadcast_in_dim3A_3 {strides = array<i32>} : memref<120x512xf32, #tpu.memory_space<vmem>>, vector<16xf32>,
      %swap3A_152 = arith.index_cast %scan3A_143 : i32 to index
      %swap3A_153 = arith.constant 48 : index
      %swap3A_154 = tpu.vector_load %arg6[%swap3A_152, %swap3A_153] {strides = array<i32>} : memref<120x512xf32, #tpu.memory_space<vmem>>, vector<16xf32>,
      tpu.vector_store %arg6[%swap3A_152, %swap3A_153], %broadcast_in_dim3A_3 {strides = array<i32>} : memref<120x512xf32, #tpu.memory_space<vmem>>, vector<16xf32>,
      %swap3A_155 = arith.index_cast %scan3A_143 : i32 to index
      %swap3A_156 = arith.constant 64 : index
      %swap3A_157 = tpu.vector_load %arg6[%swap3A_155, %swap3A_156] {strides = array<i32>} : memref<120x512xf32, #tpu.memory_space<vmem>>, vector<16xf32>,
      tpu.vector_store %arg6[%swap3A_155, %swap3A_156], %broadcast_in_dim3A_3 {strides = array<i32>} : memref<120x512xf32, #tpu.memory_space<vmem>>, vector<16xf32>,
      %swap3A_158 = arith.index_cast %scan3A_143 : i32 to index
      %swap3A_159 = arith.constant 80 : index
      %swap3A_160 = tpu.vector_load %arg6[%swap3A_158, %swap3A_159] {strides = array<i32>} : memref<120x512xf32, #tpu.memory_space<vmem>>, vector<16xf32>,
      tpu.vector_store %arg6[%swap3A_158, %swap3A_159], %broadcast_in_dim3A_3 {strides = array<i32>} : memref<120x512xf32, #tpu.memory_space<vmem>>, vector<16xf32>,
      %swap3A_161 = arith.index_cast %scan3A_143 : i32 to index
      %swap3A_162 = arith.constant 96 : index
      %swap3A_163 = tpu.vector_load %arg6[%swap3A_161, %swap3A_162] {strides = array<i32>} : memref<120x512xf32, #tpu.memory_space<vmem>>, vector<16xf32>,
      tpu.vector_store %arg6[%swap3A_161, %swap3A_162], %broadcast_in_dim3A_3 {strides = array<i32>} : memref<120x512xf32, #tpu.memory_space<vmem>>, vector<16xf32>,
      %swap3A_164 = arith.index_cast %scan3A_143 : i32 to index
      %swap3A_165 = arith.constant 112 : index
      %swap3A_166 = tpu.vector_load %arg6[%swap3A_164, %swap3A_165] {strides = array<i32>} : memref<120x512xf32, #tpu.memory_space<vmem>>, vector<16xf32>,
      tpu.vector_store %arg6[%swap3A_164, %swap3A_165], %broadcast_in_dim3A_3 {strides = array<i32>} : memref<120x512xf32, #tpu.memory_space<vmem>>, vector<16xf32>,
      %swap3A_167 = arith.index_cast %scan3A_143 : i32 to index
      %swap3A_168 = arith.constant 128 : index
      %swap3A_169 = tpu.vector_load %arg6[%swap3A_167, %swap3A_168] {strides = array<i32>} : memref<120x512xf32, #tpu.memory_space<vmem>>, vector<16xf32>,
      tpu.vector_store %arg6[%swap3A_167, %swap3A_168], %broadcast_in_dim3A_3 {strides = array<i32>} : memref<120x512xf32, #tpu.memory_space<vmem>>, vector<16xf32>,
      %swap3A_170 = arith.index_cast %scan3A_143 : i32 to index
      %swap3A_171 = arith.constant 144 : index
      %swap3A_172 = tpu.vector_load %arg6[%swap3A_170, %swap3A_171] {strides = array<i32>} : memref<120x512xf32, #tpu.memory_space<vmem>>, vector<16xf32>,
      tpu.vector_store %arg6[%swap3A_170, %swap3A_171], %broadcast_in_dim3A_3 {strides = array<i32>} : memref<120x512xf32, #tpu.memory_space<vmem>>, vector<16xf32>,
      %swap3A_173 = arith.index_cast %scan3A_143 : i32 to index
      %swap3A_174 = arith.constant 160 : index
      %swap3A_175 = tpu.vector_load %arg6[%swap3A_173, %swap3A_174] {strides = array<i32>} : memref<120x512xf32, #tpu.memory_space<vmem>>, vector<16xf32>,
      tpu.vector_store %arg6[%swap3A_173, %swap3A_174], %broadcast_in_dim3A_3 {strides = array<i32>} : memref<120x512xf32, #tpu.memory_space<vmem>>, vector<16xf32>,
      %swap3A_176 = arith.index_cast %scan3A_143 : i32 to index
      %swap3A_177 = arith.constant 176 : index
      %swap3A_178 = tpu.vector_load %arg6[%swap3A_176, %swap3A_177] {strides = array<i32>} : memref<120x512xf32, #tpu.memory_space<vmem>>, vector<16xf32>,
      tpu.vector_store %arg6[%swap3A_176, %swap3A_177], %broadcast_in_dim3A_3 {strides = array<i32>} : memref<120x512xf32, #tpu.memory_space<vmem>>, vector<16xf32>,
      %swap3A_179 = arith.index_cast %scan3A_143 : i32 to index
      %swap3A_180 = arith.constant 192 : index
      %swap3A_181 = tpu.vector_load %arg6[%swap3A_179, %swap3A_180] {strides = array<i32>} : memref<120x512xf32, #tpu.memory_space<vmem>>, vector<16xf32>,
      tpu.vector_store %arg6[%swap3A_179, %swap3A_180], %broadcast_in_dim3A_3 {strides = array<i32>} : memref<120x512xf32, #tpu.memory_space<vmem>>, vector<16xf32>,
      %swap3A_182 = arith.index_cast %scan3A_143 : i32 to index
      %swap3A_183 = arith.constant 208 : index
      %swap3A_184 = tpu.vector_load %arg6[%swap3A_182, %swap3A_183] {strides = array<i32>} : memref<120x512xf32, #tpu.memory_space<vmem>>, vector<16xf32>,
      tpu.vector_store %arg6[%swap3A_182, %swap3A_183], %broadcast_in_dim3A_3 {strides = array<i32>} : memref<120x512xf32, #tpu.memory_space<vmem>>, vector<16xf32>,
      %swap3A_185 = arith.index_cast %scan3A_143 : i32 to index
      %swap3A_186 = arith.constant 224 : index
      %swap3A_187 = tpu.vector_load %arg6[%swap3A_185, %swap3A_186] {strides = array<i32>} : memref<120x512xf32, #tpu.memory_space<vmem>>, vector<16xf32>,
      tpu.vector_store %arg6[%swap3A_185, %swap3A_186], %broadcast_in_dim3A_3 {strides = array<i32>} : memref<120x512xf32, #tpu.memory_space<vmem>>, vector<16xf32>,
      %swap3A_188 = arith.index_cast %scan3A_143 : i32 to index
      %swap3A_189 = arith.constant 240 : index
      %swap3A_190 = tpu.vector_load %arg6[%swap3A_188, %swap3A_189] {strides = array<i32>} : memref<120x512xf32, #tpu.memory_space<vmem>>, vector<16xf32>,
      tpu.vector_store %arg6[%swap3A_188, %swap3A_189], %broadcast_in_dim3A_3 {strides = array<i32>} : memref<120x512xf32, #tpu.memory_space<vmem>>, vector<16xf32>,
      %swap3A_191 = arith.index_cast %scan3A_143 : i32 to index
      %swap3A_192 = arith.constant 256 : index
      %swap3A_193 = tpu.vector_load %arg6[%swap3A_191, %swap3A_192] {strides = array<i32>} : memref<120x512xf32, #tpu.memory_space<vmem>>, vector<16xf32>,
      tpu.vector_store %arg6[%swap3A_191, %swap3A_192], %broadcast_in_dim3A_3 {strides = array<i32>} : memref<120x512xf32, #tpu.memory_space<vmem>>, vector<16xf32>,
      %swap3A_194 = arith.index_cast %scan3A_143 : i32 to index
      %swap3A_195 = arith.constant 272 : index
      %swap3A_196 = tpu.vector_load %arg6[%swap3A_194, %swap3A_195] {strides = array<i32>} : memref<120x512xf32, #tpu.memory_space<vmem>>, vector<16xf32>,
      tpu.vector_store %arg6[%swap3A_194, %swap3A_195], %broadcast_in_dim3A_3 {strides = array<i32>} : memref<120x512xf32, #tpu.memory_space<vmem>>, vector<16xf32>,
      %swap3A_197 = arith.index_cast %scan3A_143 : i32 to index
      %swap3A_198 = arith.constant 288 : index
      %swap3A_199 = tpu.vector_load %arg6[%swap3A_197, %swap3A_198] {strides = array<i32>} : memref<120x512xf32, #tpu.memory_space<vmem>>, vector<16xf32>,
      tpu.vector_store %arg6[%swap3A_197, %swap3A_198], %broadcast_in_dim3A_3 {strides = array<i32>} : memref<120x512xf32, #tpu.memory_space<vmem>>, vector<16xf32>,
      %swap3A_200 = arith.index_cast %scan3A_143 : i32 to index
      %swap3A_201 = arith.constant 304 : index
      %swap3A_202 = tpu.vector_load %arg6[%swap3A_200, %swap3A_201] {strides = array<i32>} : memref<120x512xf32, #tpu.memory_space<vmem>>, vector<16xf32>,
      tpu.vector_store %arg6[%swap3A_200, %swap3A_201], %broadcast_in_dim3A_3 {strides = array<i32>} : memref<120x512xf32, #tpu.memory_space<vmem>>, vector<16xf32>,
      %swap3A_203 = arith.index_cast %scan3A_143 : i32 to index
      %swap3A_204 = arith.constant 320 : index
      %swap3A_205 = tpu.vector_load %arg6[%swap3A_203, %swap3A_204] {strides = array<i32>} : memref<120x512xf32, #tpu.memory_space<vmem>>, vector<16xf32>,
      tpu.vector_store %arg6[%swap3A_203, %swap3A_204], %broadcast_in_dim3A_3 {strides = array<i32>} : memref<120x512xf32, #tpu.memory_space<vmem>>, vector<16xf32>,
      %swap3A_206 = arith.index_cast %scan3A_143 : i32 to index
      %swap3A_207 = arith.constant 336 : index
      %swap3A_208 = tpu.vector_load %arg6[%swap3A_206, %swap3A_207] {strides = array<i32>} : memref<120x512xf32, #tpu.memory_space<vmem>>, vector<16xf32>,
      tpu.vector_store %arg6[%swap3A_206, %swap3A_207], %broadcast_in_dim3A_3 {strides = array<i32>} : memref<120x512xf32, #tpu.memory_space<vmem>>, vector<16xf32>,
      %swap3A_209 = arith.index_cast %scan3A_143 : i32 to index
      %swap3A_210 = arith.constant 352 : index
      %swap3A_211 = tpu.vector_load %arg6[%swap3A_209, %swap3A_210] {strides = array<i32>} : memref<120x512xf32, #tpu.memory_space<vmem>>, vector<16xf32>,
      tpu.vector_store %arg6[%swap3A_209, %swap3A_210], %broadcast_in_dim3A_3 {strides = array<i32>} : memref<120x512xf32, #tpu.memory_space<vmem>>, vector<16xf32>,
      %swap3A_212 = arith.index_cast %scan3A_143 : i32 to index
      %swap3A_213 = arith.constant 368 : index
      %swap3A_214 = tpu.vector_load %arg6[%swap3A_212, %swap3A_213] {strides = array<i32>} : memref<120x512xf32, #tpu.memory_space<vmem>>, vector<16xf32>,
      tpu.vector_store %arg6[%swap3A_212, %swap3A_213], %broadcast_in_dim3A_3 {strides = array<i32>} : memref<120x512xf32, #tpu.memory_space<vmem>>, vector<16xf32>,
      %swap3A_215 = arith.index_cast %scan3A_143 : i32 to index
      %swap3A_216 = arith.constant 384 : index
      %swap3A_217 = tpu.vector_load %arg6[%swap3A_215, %swap3A_216] {strides = array<i32>} : memref<120x512xf32, #tpu.memory_space<vmem>>, vector<16xf32>,
      tpu.vector_store %arg6[%swap3A_215, %swap3A_216], %broadcast_in_dim3A_3 {strides = array<i32>} : memref<120x512xf32, #tpu.memory_space<vmem>>, vector<16xf32>,
      %swap3A_218 = arith.index_cast %scan3A_143 : i32 to index
      %swap3A_219 = arith.constant 400 : index
      %swap3A_220 = tpu.vector_load %arg6[%swap3A_218, %swap3A_219] {strides = array<i32>} : memref<120x512xf32, #tpu.memory_space<vmem>>, vector<16xf32>,
      tpu.vector_store %arg6[%swap3A_218, %swap3A_219], %broadcast_in_dim3A_3 {strides = array<i32>} : memref<120x512xf32, #tpu.memory_space<vmem>>, vector<16xf32>,
      %swap3A_221 = arith.index_cast %scan3A_143 : i32 to index
      %swap3A_222 = arith.constant 416 : index
      %swap3A_223 = tpu.vector_load %arg6[%swap3A_221, %swap3A_222] {strides = array<i32>} : memref<120x512xf32, #tpu.memory_space<vmem>>, vector<16xf32>,
      tpu.vector_store %arg6[%swap3A_221, %swap3A_222], %broadcast_in_dim3A_3 {strides = array<i32>} : memref<120x512xf32, #tpu.memory_space<vmem>>, vector<16xf32>,
      %swap3A_224 = arith.index_cast %scan3A_143 : i32 to index
      %swap3A_225 = arith.constant 432 : index
      %swap3A_226 = tpu.vector_load %arg6[%swap3A_224, %swap3A_225] {strides = array<i32>} : memref<120x512xf32, #tpu.memory_space<vmem>>, vector<16xf32>,
      tpu.vector_store %arg6[%swap3A_224, %swap3A_225], %broadcast_in_dim3A_3 {strides = array<i32>} : memref<120x512xf32, #tpu.memory_space<vmem>>, vector<16xf32>,
      %swap3A_227 = arith.index_cast %scan3A_143 : i32 to index
      %swap3A_228 = arith.constant 448 : index
      %swap3A_229 = tpu.vector_load %arg6[%swap3A_227, %swap3A_228] {strides = array<i32>} : memref<120x512xf32, #tpu.memory_space<vmem>>, vector<16xf32>,
      tpu.vector_store %arg6[%swap3A_227, %swap3A_228], %broadcast_in_dim3A_3 {strides = array<i32>} : memref<120x512xf32, #tpu.memory_space<vmem>>, vector<16xf32>,
      %swap3A_230 = arith.index_cast %scan3A_143 : i32 to index
      %swap3A_231 = arith.constant 464 : index
      %swap3A_232 = tpu.vector_load %arg6[%swap3A_230, %swap3A_231] {strides = array<i32>} : memref<120x512xf32, #tpu.memory_space<vmem>>, vector<16xf32>,
      tpu.vector_store %arg6[%swap3A_230, %swap3A_231], %broadcast_in_dim3A_3 {strides = array<i32>} : memref<120x512xf32, #tpu.memory_space<vmem>>, vector<16xf32>,
      %swap3A_233 = arith.index_cast %scan3A_143 : i32 to index
      %swap3A_234 = arith.constant 480 : index
      %swap3A_235 = tpu.vector_load %arg6[%swap3A_233, %swap3A_234] {strides = array<i32>} : memref<120x512xf32, #tpu.memory_space<vmem>>, vector<16xf32>,
      tpu.vector_store %arg6[%swap3A_233, %swap3A_234], %broadcast_in_dim3A_3 {strides = array<i32>} : memref<120x512xf32, #tpu.memory_space<vmem>>, vector<16xf32>,
      %swap3A_236 = arith.index_cast %scan3A_143 : i32 to index
      %swap3A_237 = arith.constant 496 : index
      %swap3A_238 = tpu.vector_load %arg6[%swap3A_236, %swap3A_237] {strides = array<i32>} : memref<120x512xf32, #tpu.memory_space<vmem>>, vector<16xf32>,
      tpu.vector_store %arg6[%swap3A_236, %swap3A_237], %broadcast_in_dim3A_3 {strides = array<i32>} : memref<120x512xf32, #tpu.memory_space<vmem>>, vector<16xf32>,
    }
    %scan3A_33 = arith.constant 120 : i32
    %broadcast_in_dim3A_34 = arith.constant 120 : i32
    %broadcast_in_dim3A_35 = vector.broadcast %broadcast_in_dim3A_34 : i32 to vector<16xi32>
    %scan3A_36 = arith.constant 0 : i32
    %scan3A_37 = arith.constant 0 : i32
    %scan3A_38 = arith.constant 8 : i32
    %scan3A_39 = arith.addi %scan3A_37, %scan3A_38 : i32
    %scan3A_40 = arith.constant 1 : i32
    scf.for %scan3A_143 = %scan3A_37 to %scan3A_39 step %scan3A_40  : i32 {
      %mul3A_144 = arith.constant 4 : i32
      %mul3A_145 = arith.muli %scan3A_143, %mul3A_144 : i32
      %add3A_146 = arith.constant 0 : i32
      %add3A_147 = arith.addi %mul3A_145, %add3A_146 : i32
      %mul3A_148 = arith.constant 16 : i32
      %mul3A_149 = arith.muli %add3A_147, %mul3A_148 : i32
      %get3A = arith.index_cast %mul3A_149 : i32 to index
      %get3A_150 = tpu.vector_load %arg4[%get3A] {strides = array<i32>} : memref<512xi32, #tpu.memory_space<vmem>>, vector<16xi32>,
      %sub3A = arith.constant 720 : i32
      %sub3A_151 = vector.broadcast %sub3A : i32 to vector<16xi32>
      %sub3A_152 = arith.subi %get3A_150, %sub3A_151 : vector<16xi32>
      %bitcast3A = vector.bitcast %sub3A_152 : vector<16xi32> to vector<16xi32>
      %lt3A = arith.cmpi ult, %bitcast3A, %broadcast_in_dim3A_35 : vector<16xi32>
      %add3A_153 = vector.broadcast %mul3A_149 : i32 to vector<16xi32>
      %add3A_154 = arith.addi %iota3A, %add3A_153 : vector<16xi32>
      tpu.vector_store_idx %arg6[%sub3A_152, %add3A_154], %broadcast_in_dim3A_5 masked %lt3A : memref<120x512xf32, #tpu.memory_space<vmem>>[vector<16xi32>, vector<16xi32>], vector<16xf32>, vector<16xi1>
      %mul3A_155 = arith.constant 4 : i32
      %mul3A_156 = arith.muli %scan3A_143, %mul3A_155 : i32
      %add3A_157 = arith.constant 1 : i32
      %add3A_158 = arith.addi %mul3A_156, %add3A_157 : i32
      %mul3A_159 = arith.constant 16 : i32
      %mul3A_160 = arith.muli %add3A_158, %mul3A_159 : i32
      %get3A_161 = arith.index_cast %mul3A_160 : i32 to index
      %get3A_162 = tpu.vector_load %arg4[%get3A_161] {strides = array<i32>} : memref<512xi32, #tpu.memory_space<vmem>>, vector<16xi32>,
      %sub3A_163 = arith.constant 720 : i32
      %sub3A_164 = vector.broadcast %sub3A_163 : i32 to vector<16xi32>
      %sub3A_165 = arith.subi %get3A_162, %sub3A_164 : vector<16xi32>
      %bitcast3A_166 = vector.bitcast %sub3A_165 : vector<16xi32> to vector<16xi32>
      %lt3A_167 = arith.cmpi ult, %bitcast3A_166, %broadcast_in_dim3A_35 : vector<16xi32>
      %add3A_168 = vector.broadcast %mul3A_160 : i32 to vector<16xi32>
      %add3A_169 = arith.addi %iota3A, %add3A_168 : vector<16xi32>
      tpu.vector_store_idx %arg6[%sub3A_165, %add3A_169], %broadcast_in_dim3A_5 masked %lt3A_167 : memref<120x512xf32, #tpu.memory_space<vmem>>[vector<16xi32>, vector<16xi32>], vector<16xf32>, vector<16xi1>
      %mul3A_170 = arith.constant 4 : i32
      %mul3A_171 = arith.muli %scan3A_143, %mul3A_170 : i32
      %add3A_172 = arith.constant 2 : i32
      %add3A_173 = arith.addi %mul3A_171, %add3A_172 : i32
      %mul3A_174 = arith.constant 16 : i32
      %mul3A_175 = arith.muli %add3A_173, %mul3A_174 : i32
      %get3A_176 = arith.index_cast %mul3A_175 : i32 to index
      %get3A_177 = tpu.vector_load %arg4[%get3A_176] {strides = array<i32>} : memref<512xi32, #tpu.memory_space<vmem>>, vector<16xi32>,
      %sub3A_178 = arith.constant 720 : i32
      %sub3A_179 = vector.broadcast %sub3A_178 : i32 to vector<16xi32>
      %sub3A_180 = arith.subi %get3A_177, %sub3A_179 : vector<16xi32>
      %bitcast3A_181 = vector.bitcast %sub3A_180 : vector<16xi32> to vector<16xi32>
      %lt3A_182 = arith.cmpi ult, %bitcast3A_181, %broadcast_in_dim3A_35 : vector<16xi32>
      %add3A_183 = vector.broadcast %mul3A_175 : i32 to vector<16xi32>
      %add3A_184 = arith.addi %iota3A, %add3A_183 : vector<16xi32>
      tpu.vector_store_idx %arg6[%sub3A_180, %add3A_184], %broadcast_in_dim3A_5 masked %lt3A_182 : memref<120x512xf32, #tpu.memory_space<vmem>>[vector<16xi32>, vector<16xi32>], vector<16xf32>, vector<16xi1>
      %mul3A_185 = arith.constant 4 : i32
      %mul3A_186 = arith.muli %scan3A_143, %mul3A_185 : i32
      %add3A_187 = arith.constant 3 : i32
      %add3A_188 = arith.addi %mul3A_186, %add3A_187 : i32
      %mul3A_189 = arith.constant 16 : i32
      %mul3A_190 = arith.muli %add3A_188, %mul3A_189 : i32
      %get3A_191 = arith.index_cast %mul3A_190 : i32 to index
      %get3A_192 = tpu.vector_load %arg4[%get3A_191] {strides = array<i32>} : memref<512xi32, #tpu.memory_space<vmem>>, vector<16xi32>,
      %sub3A_193 = arith.constant 720 : i32
      %sub3A_194 = vector.broadcast %sub3A_193 : i32 to vector<16xi32>
      %sub3A_195 = arith.subi %get3A_192, %sub3A_194 : vector<16xi32>
      %bitcast3A_196 = vector.bitcast %sub3A_195 : vector<16xi32> to vector<16xi32>
      %lt3A_197 = arith.cmpi ult, %bitcast3A_196, %broadcast_in_dim3A_35 : vector<16xi32>
      %add3A_198 = vector.broadcast %mul3A_190 : i32 to vector<16xi32>
      %add3A_199 = arith.addi %iota3A, %add3A_198 : vector<16xi32>
      tpu.vector_store_idx %arg6[%sub3A_195, %add3A_199], %broadcast_in_dim3A_5 masked %lt3A_197 : memref<120x512xf32, #tpu.memory_space<vmem>>[vector<16xi32>, vector<16xi32>], vector<16xf32>, vector<16xi1>
    }
    %scan3A_41 = arith.constant 8 : i32
    %dma_start3A_42 = arith.constant 0 : i32
    %dma_start3A_43 = arith.constant 0 : i32
    %dma_start3A_44 = tpu.memref_slice %arg6[%dma_start3A_42, %dma_start3A_43] : memref<120x512xf32, #tpu.memory_space<vmem>> -> memref<120x512xf32, #tpu.memory_space<vmem>>
    %dma_start3A_45 = arith.constant 720 : i32
    %dma_start3A_46 = tpu.memref_slice %arg3[%dma_start3A_45, %mul3A_2] : memref<1000x16384xf32, #tpu.memory_space<hbm>> -> memref<120x512xf32, #tpu.memory_space<hbm>>
    %dma_start3A_47 = arith.constant 720 : i32
    %dma_start3A_48 = tpu.memref_slice %arg3[%dma_start3A_47, %mul3A_2] : memref<1000x16384xf32, #tpu.memory_space<hbm>> -> memref<120x512xf32, #tpu.memory_space<hbm>>
    %dma_start3A_49 = arith.constant 0 : i32
    %dma_start3A_50 = arith.constant 0 : i32
    %dma_start3A_51 = tpu.memref_slice %arg6[%dma_start3A_49, %dma_start3A_50] : memref<120x512xf32, #tpu.memory_space<vmem>> -> memref<120x512xf32, #tpu.memory_space<vmem>>
    tpu.enqueue_dma source(%dma_start3A_51 : memref<120x512xf32, #tpu.memory_space<vmem>>) target(%dma_start3A_48 : memref<120x512xf32, #tpu.memory_space<hbm>>) target_semaphore(%arg8 : memref<!tpu.dma_semaphore, #tpu.memory_space<semaphore_mem>>)
    %dma_wait3A = arith.constant 0 : i32
    %dma_wait3A_52 = arith.constant 0 : i32
    %dma_wait3A_53 = tpu.memref_slice %arg5[%dma_wait3A, %dma_wait3A_52] : memref<120x512xf32, #tpu.memory_space<vmem>> -> memref<120x512xf32, #tpu.memory_space<vmem>>
    %dma_wait3A_54 = arith.constant 600 : i32
    %dma_wait3A_55 = tpu.memref_slice %arg3[%dma_wait3A_54, %mul3A_2] : memref<1000x16384xf32, #tpu.memory_space<hbm>> -> memref<120x512xf32, #tpu.memory_space<hbm>>
    %dma_wait3A_56 = arith.constant 600 : i32
    %dma_wait3A_57 = tpu.memref_slice %arg3[%dma_wait3A_56, %mul3A_2] : memref<1000x16384xf32, #tpu.memory_space<hbm>> -> memref<120x512xf32, #tpu.memory_space<hbm>>
    %dma_wait3A_58 = arith.constant 0 : i32
    %dma_wait3A_59 = arith.constant 0 : i32
    %dma_wait3A_60 = tpu.memref_slice %arg5[%dma_wait3A_58, %dma_wait3A_59] : memref<120x512xf32, #tpu.memory_space<vmem>> -> memref<120x512xf32, #tpu.memory_space<vmem>>
    tpu.wait_dma2 semaphore(%arg7 : memref<!tpu.dma_semaphore, #tpu.memory_space<semaphore_mem>>) src(%dma_wait3A_60 : memref<120x512xf32, #tpu.memory_space<vmem>>) dst(%dma_wait3A_57 : memref<120x512xf32, #tpu.memory_space<hbm>>)
    %broadcast_in_dim3A_61 = arith.constant 120 : i32
    %broadcast_in_dim3A_62 = vector.broadcast %broadcast_in_dim3A_61 : i32 to vector<16xi32>
    %scan3A_63 = arith.constant 0 : i32
    %scan3A_64 = arith.constant 0 : i32
    %scan3A_65 = arith.constant 8 : i32
    %scan3A_66 = arith.addi %scan3A_64, %scan3A_65 : i32
    %scan3A_67 = arith.constant 1 : i32
    scf.for %scan3A_143 = %scan3A_64 to %scan3A_66 step %scan3A_67  : i32 {
      %mul3A_144 = arith.constant 4 : i32
      %mul3A_145 = arith.muli %scan3A_143, %mul3A_144 : i32
      %add3A_146 = arith.constant 0 : i32
      %add3A_147 = arith.addi %mul3A_145, %add3A_146 : i32
      %mul3A_148 = arith.constant 16 : i32
      %mul3A_149 = arith.muli %add3A_147, %mul3A_148 : i32
      %get3A = arith.index_cast %mul3A_149 : i32 to index
      %get3A_150 = tpu.vector_load %arg4[%get3A] {strides = array<i32>} : memref<512xi32, #tpu.memory_space<vmem>>, vector<16xi32>,
      %sub3A = arith.constant 600 : i32
      %sub3A_151 = vector.broadcast %sub3A : i32 to vector<16xi32>
      %sub3A_152 = arith.subi %get3A_150, %sub3A_151 : vector<16xi32>
      %bitcast3A = vector.bitcast %sub3A_152 : vector<16xi32> to vector<16xi32>
      %lt3A = arith.cmpi ult, %bitcast3A, %broadcast_in_dim3A_62 : vector<16xi32>
      %add3A_153 = vector.broadcast %mul3A_149 : i32 to vector<16xi32>
      %add3A_154 = arith.addi %iota3A, %add3A_153 : vector<16xi32>
      tpu.vector_store_idx %arg5[%sub3A_152, %add3A_154], %broadcast_in_dim3A_3 masked %lt3A : memref<120x512xf32, #tpu.memory_space<vmem>>[vector<16xi32>, vector<16xi32>], vector<16xf32>, vector<16xi1>
      %mul3A_155 = arith.constant 4 : i32
      %mul3A_156 = arith.muli %scan3A_143, %mul3A_155 : i32
      %add3A_157 = arith.constant 1 : i32
      %add3A_158 = arith.addi %mul3A_156, %add3A_157 : i32
      %mul3A_159 = arith.constant 16 : i32
      %mul3A_160 = arith.muli %add3A_158, %mul3A_159 : i32
      %get3A_161 = arith.index_cast %mul3A_160 : i32 to index
      %get3A_162 = tpu.vector_load %arg4[%get3A_161] {strides = array<i32>} : memref<512xi32, #tpu.memory_space<vmem>>, vector<16xi32>,
      %sub3A_163 = arith.constant 600 : i32
      %sub3A_164 = vector.broadcast %sub3A_163 : i32 to vector<16xi32>
      %sub3A_165 = arith.subi %get3A_162, %sub3A_164 : vector<16xi32>
      %bitcast3A_166 = vector.bitcast %sub3A_165 : vector<16xi32> to vector<16xi32>
      %lt3A_167 = arith.cmpi ult, %bitcast3A_166, %broadcast_in_dim3A_62 : vector<16xi32>
      %add3A_168 = vector.broadcast %mul3A_160 : i32 to vector<16xi32>
      %add3A_169 = arith.addi %iota3A, %add3A_168 : vector<16xi32>
      tpu.vector_store_idx %arg5[%sub3A_165, %add3A_169], %broadcast_in_dim3A_3 masked %lt3A_167 : memref<120x512xf32, #tpu.memory_space<vmem>>[vector<16xi32>, vector<16xi32>], vector<16xf32>, vector<16xi1>
      %mul3A_170 = arith.constant 4 : i32
      %mul3A_171 = arith.muli %scan3A_143, %mul3A_170 : i32
      %add3A_172 = arith.constant 2 : i32
      %add3A_173 = arith.addi %mul3A_171, %add3A_172 : i32
      %mul3A_174 = arith.constant 16 : i32
      %mul3A_175 = arith.muli %add3A_173, %mul3A_174 : i32
      %get3A_176 = arith.index_cast %mul3A_175 : i32 to index
      %get3A_177 = tpu.vector_load %arg4[%get3A_176] {strides = array<i32>} : memref<512xi32, #tpu.memory_space<vmem>>, vector<16xi32>,
      %sub3A_178 = arith.constant 600 : i32
      %sub3A_179 = vector.broadcast %sub3A_178 : i32 to vector<16xi32>
      %sub3A_180 = arith.subi %get3A_177, %sub3A_179 : vector<16xi32>
      %bitcast3A_181 = vector.bitcast %sub3A_180 : vector<16xi32> to vector<16xi32>
      %lt3A_182 = arith.cmpi ult, %bitcast3A_181, %broadcast_in_dim3A_62 : vector<16xi32>
      %add3A_183 = vector.broadcast %mul3A_175 : i32 to vector<16xi32>
      %add3A_184 = arith.addi %iota3A, %add3A_183 : vector<16xi32>
      tpu.vector_store_idx %arg5[%sub3A_180, %add3A_184], %broadcast_in_dim3A_3 masked %lt3A_182 : memref<120x512xf32, #tpu.memory_space<vmem>>[vector<16xi32>, vector<16xi32>], vector<16xf32>, vector<16xi1>
      %mul3A_185 = arith.constant 4 : i32
      %mul3A_186 = arith.muli %scan3A_143, %mul3A_185 : i32
      %add3A_187 = arith.constant 3 : i32
      %add3A_188 = arith.addi %mul3A_186, %add3A_187 : i32
      %mul3A_189 = arith.constant 16 : i32
      %mul3A_190 = arith.muli %add3A_188, %mul3A_189 : i32
      %get3A_191 = arith.index_cast %mul3A_190 : i32 to index
      %get3A_192 = tpu.vector_load %arg4[%get3A_191] {strides = array<i32>} : memref<512xi32, #tpu.memory_space<vmem>>, vector<16xi32>,
      %sub3A_193 = arith.constant 600 : i32
      %sub3A_194 = vector.broadcast %sub3A_193 : i32 to vector<16xi32>
      %sub3A_195 = arith.subi %get3A_192, %sub3A_194 : vector<16xi32>
      %bitcast3A_196 = vector.bitcast %sub3A_195 : vector<16xi32> to vector<16xi32>
      %lt3A_197 = arith.cmpi ult, %bitcast3A_196, %broadcast_in_dim3A_62 : vector<16xi32>
      %add3A_198 = vector.broadcast %mul3A_190 : i32 to vector<16xi32>
      %add3A_199 = arith.addi %iota3A, %add3A_198 : vector<16xi32>
      tpu.vector_store_idx %arg5[%sub3A_195, %add3A_199], %broadcast_in_dim3A_3 masked %lt3A_197 : memref<120x512xf32, #tpu.memory_space<vmem>>[vector<16xi32>, vector<16xi32>], vector<16xf32>, vector<16xi1>
    }
    %scan3A_68 = arith.constant 8 : i32
    %broadcast_in_dim3A_69 = arith.constant 120 : i32
    %broadcast_in_dim3A_70 = vector.broadcast %broadcast_in_dim3A_69 : i32 to vector<16xi32>
    %scan3A_71 = arith.constant 0 : i32
    %scan3A_72 = arith.constant 0 : i32
    %scan3A_73 = arith.constant 8 : i32
    %scan3A_74 = arith.addi %scan3A_72, %scan3A_73 : i32
    %scan3A_75 = arith.constant 1 : i32
    scf.for %scan3A_143 = %scan3A_72 to %scan3A_74 step %scan3A_75  : i32 {
      %mul3A_144 = arith.constant 4 : i32
      %mul3A_145 = arith.muli %scan3A_143, %mul3A_144 : i32
      %add3A_146 = arith.constant 0 : i32
      %add3A_147 = arith.addi %mul3A_145, %add3A_146 : i32
      %mul3A_148 = arith.constant 16 : i32
      %mul3A_149 = arith.muli %add3A_147, %mul3A_148 : i32
      %get3A = arith.index_cast %mul3A_149 : i32 to index
      %get3A_150 = tpu.vector_load %arg4[%get3A] {strides = array<i32>} : memref<512xi32, #tpu.memory_space<vmem>>, vector<16xi32>,
      %sub3A = arith.constant 840 : i32
      %sub3A_151 = vector.broadcast %sub3A : i32 to vector<16xi32>
      %sub3A_152 = arith.subi %get3A_150, %sub3A_151 : vector<16xi32>
      %bitcast3A = vector.bitcast %sub3A_152 : vector<16xi32> to vector<16xi32>
      %lt3A = arith.cmpi ult, %bitcast3A, %broadcast_in_dim3A_70 : vector<16xi32>
      %add3A_153 = vector.broadcast %mul3A_149 : i32 to vector<16xi32>
      %add3A_154 = arith.addi %iota3A, %add3A_153 : vector<16xi32>
      tpu.vector_store_idx %arg5[%sub3A_152, %add3A_154], %broadcast_in_dim3A_5 masked %lt3A : memref<120x512xf32, #tpu.memory_space<vmem>>[vector<16xi32>, vector<16xi32>], vector<16xf32>, vector<16xi1>
      %mul3A_155 = arith.constant 4 : i32
      %mul3A_156 = arith.muli %scan3A_143, %mul3A_155 : i32
      %add3A_157 = arith.constant 1 : i32
      %add3A_158 = arith.addi %mul3A_156, %add3A_157 : i32
      %mul3A_159 = arith.constant 16 : i32
      %mul3A_160 = arith.muli %add3A_158, %mul3A_159 : i32
      %get3A_161 = arith.index_cast %mul3A_160 : i32 to index
      %get3A_162 = tpu.vector_load %arg4[%get3A_161] {strides = array<i32>} : memref<512xi32, #tpu.memory_space<vmem>>, vector<16xi32>,
      %sub3A_163 = arith.constant 840 : i32
      %sub3A_164 = vector.broadcast %sub3A_163 : i32 to vector<16xi32>
      %sub3A_165 = arith.subi %get3A_162, %sub3A_164 : vector<16xi32>
      %bitcast3A_166 = vector.bitcast %sub3A_165 : vector<16xi32> to vector<16xi32>
      %lt3A_167 = arith.cmpi ult, %bitcast3A_166, %broadcast_in_dim3A_70 : vector<16xi32>
      %add3A_168 = vector.broadcast %mul3A_160 : i32 to vector<16xi32>
      %add3A_169 = arith.addi %iota3A, %add3A_168 : vector<16xi32>
      tpu.vector_store_idx %arg5[%sub3A_165, %add3A_169], %broadcast_in_dim3A_5 masked %lt3A_167 : memref<120x512xf32, #tpu.memory_space<vmem>>[vector<16xi32>, vector<16xi32>], vector<16xf32>, vector<16xi1>
      %mul3A_170 = arith.constant 4 : i32
      %mul3A_171 = arith.muli %scan3A_143, %mul3A_170 : i32
      %add3A_172 = arith.constant 2 : i32
      %add3A_173 = arith.addi %mul3A_171, %add3A_172 : i32
      %mul3A_174 = arith.constant 16 : i32
      %mul3A_175 = arith.muli %add3A_173, %mul3A_174 : i32
      %get3A_176 = arith.index_cast %mul3A_175 : i32 to index
      %get3A_177 = tpu.vector_load %arg4[%get3A_176] {strides = array<i32>} : memref<512xi32, #tpu.memory_space<vmem>>, vector<16xi32>,
      %sub3A_178 = arith.constant 840 : i32
      %sub3A_179 = vector.broadcast %sub3A_178 : i32 to vector<16xi32>
      %sub3A_180 = arith.subi %get3A_177, %sub3A_179 : vector<16xi32>
      %bitcast3A_181 = vector.bitcast %sub3A_180 : vector<16xi32> to vector<16xi32>
      %lt3A_182 = arith.cmpi ult, %bitcast3A_181, %broadcast_in_dim3A_70 : vector<16xi32>
      %add3A_183 = vector.broadcast %mul3A_175 : i32 to vector<16xi32>
      %add3A_184 = arith.addi %iota3A, %add3A_183 : vector<16xi32>
      tpu.vector_store_idx %arg5[%sub3A_180, %add3A_184], %broadcast_in_dim3A_5 masked %lt3A_182 : memref<120x512xf32, #tpu.memory_space<vmem>>[vector<16xi32>, vector<16xi32>], vector<16xf32>, vector<16xi1>
      %mul3A_185 = arith.constant 4 : i32
      %mul3A_186 = arith.muli %scan3A_143, %mul3A_185 : i32
      %add3A_187 = arith.constant 3 : i32
      %add3A_188 = arith.addi %mul3A_186, %add3A_187 : i32
      %mul3A_189 = arith.constant 16 : i32
      %mul3A_190 = arith.muli %add3A_188, %mul3A_189 : i32
      %get3A_191 = arith.index_cast %mul3A_190 : i32 to index
      %get3A_192 = tpu.vector_load %arg4[%get3A_191] {strides = array<i32>} : memref<512xi32, #tpu.memory_space<vmem>>, vector<16xi32>,
      %sub3A_193 = arith.constant 840 : i32
      %sub3A_194 = vector.broadcast %sub3A_193 : i32 to vector<16xi32>
      %sub3A_195 = arith.subi %get3A_192, %sub3A_194 : vector<16xi32>
      %bitcast3A_196 = vector.bitcast %sub3A_195 : vector<16xi32> to vector<16xi32>
      %lt3A_197 = arith.cmpi ult, %bitcast3A_196, %broadcast_in_dim3A_70 : vector<16xi32>
      %add3A_198 = vector.broadcast %mul3A_190 : i32 to vector<16xi32>
      %add3A_199 = arith.addi %iota3A, %add3A_198 : vector<16xi32>
      tpu.vector_store_idx %arg5[%sub3A_195, %add3A_199], %broadcast_in_dim3A_5 masked %lt3A_197 : memref<120x512xf32, #tpu.memory_space<vmem>>[vector<16xi32>, vector<16xi32>], vector<16xf32>, vector<16xi1>
    }
    %scan3A_76 = arith.constant 8 : i32
    %dma_start3A_77 = arith.constant 0 : i32
    %dma_start3A_78 = arith.constant 0 : i32
    %dma_start3A_79 = tpu.memref_slice %arg5[%dma_start3A_77, %dma_start3A_78] : memref<120x512xf32, #tpu.memory_space<vmem>> -> memref<120x512xf32, #tpu.memory_space<vmem>>
    %dma_start3A_80 = arith.constant 840 : i32
    %dma_start3A_81 = tpu.memref_slice %arg3[%dma_start3A_80, %mul3A_2] : memref<1000x16384xf32, #tpu.memory_space<hbm>> -> memref<120x512xf32, #tpu.memory_space<hbm>>
    %dma_start3A_82 = arith.constant 840 : i32
    %dma_start3A_83 = tpu.memref_slice %arg3[%dma_start3A_82, %mul3A_2] : memref<1000x16384xf32, #tpu.memory_space<hbm>> -> memref<120x512xf32, #tpu.memory_space<hbm>>
    %dma_start3A_84 = arith.constant 0 : i32
    %dma_start3A_85 = arith.constant 0 : i32
    %dma_start3A_86 = tpu.memref_slice %arg5[%dma_start3A_84, %dma_start3A_85] : memref<120x512xf32, #tpu.memory_space<vmem>> -> memref<120x512xf32, #tpu.memory_space<vmem>>
    tpu.enqueue_dma source(%dma_start3A_86 : memref<120x512xf32, #tpu.memory_space<vmem>>) target(%dma_start3A_83 : memref<120x512xf32, #tpu.memory_space<hbm>>) target_semaphore(%arg7 : memref<!tpu.dma_semaphore, #tpu.memory_space<semaphore_mem>>)
    %dma_wait3A_87 = arith.constant 0 : i32
    %dma_wait3A_88 = arith.constant 0 : i32
    %dma_wait3A_89 = tpu.memref_slice %arg6[%dma_wait3A_87, %dma_wait3A_88] : memref<120x512xf32, #tpu.memory_space<vmem>> -> memref<120x512xf32, #tpu.memory_space<vmem>>
    %dma_wait3A_90 = arith.constant 720 : i32
    %dma_wait3A_91 = tpu.memref_slice %arg3[%dma_wait3A_90, %mul3A_2] : memref<1000x16384xf32, #tpu.memory_space<hbm>> -> memref<120x512xf32, #tpu.memory_space<hbm>>
    %dma_wait3A_92 = arith.constant 720 : i32
    %dma_wait3A_93 = tpu.memref_slice %arg3[%dma_wait3A_92, %mul3A_2] : memref<1000x16384xf32, #tpu.memory_space<hbm>> -> memref<120x512xf32, #tpu.memory_space<hbm>>
    %dma_wait3A_94 = arith.constant 0 : i32
    %dma_wait3A_95 = arith.constant 0 : i32
    %dma_wait3A_96 = tpu.memref_slice %arg6[%dma_wait3A_94, %dma_wait3A_95] : memref<120x512xf32, #tpu.memory_space<vmem>> -> memref<120x512xf32, #tpu.memory_space<vmem>>
    tpu.wait_dma2 semaphore(%arg8 : memref<!tpu.dma_semaphore, #tpu.memory_space<semaphore_mem>>) src(%dma_wait3A_96 : memref<120x512xf32, #tpu.memory_space<vmem>>) dst(%dma_wait3A_93 : memref<120x512xf32, #tpu.memory_space<hbm>>)
    %broadcast_in_dim3A_97 = arith.constant 120 : i32
    %broadcast_in_dim3A_98 = vector.broadcast %broadcast_in_dim3A_97 : i32 to vector<16xi32>
    %scan3A_99 = arith.constant 0 : i32
    %scan3A_100 = arith.constant 0 : i32
    %scan3A_101 = arith.constant 8 : i32
    %scan3A_102 = arith.addi %scan3A_100, %scan3A_101 : i32
    %scan3A_103 = arith.constant 1 : i32
    scf.for %scan3A_143 = %scan3A_100 to %scan3A_102 step %scan3A_103  : i32 {
      %mul3A_144 = arith.constant 4 : i32
      %mul3A_145 = arith.muli %scan3A_143, %mul3A_144 : i32
      %add3A_146 = arith.constant 0 : i32
      %add3A_147 = arith.addi %mul3A_145, %add3A_146 : i32
      %mul3A_148 = arith.constant 16 : i32
      %mul3A_149 = arith.muli %add3A_147, %mul3A_148 : i32
      %get3A = arith.index_cast %mul3A_149 : i32 to index
      %get3A_150 = tpu.vector_load %arg4[%get3A] {strides = array<i32>} : memref<512xi32, #tpu.memory_space<vmem>>, vector<16xi32>,
      %sub3A = arith.constant 720 : i32
      %sub3A_151 = vector.broadcast %sub3A : i32 to vector<16xi32>
      %sub3A_152 = arith.subi %get3A_150, %sub3A_151 : vector<16xi32>
      %bitcast3A = vector.bitcast %sub3A_152 : vector<16xi32> to vector<16xi32>
      %lt3A = arith.cmpi ult, %bitcast3A, %broadcast_in_dim3A_98 : vector<16xi32>
      %add3A_153 = vector.broadcast %mul3A_149 : i32 to vector<16xi32>
      %add3A_154 = arith.addi %iota3A, %add3A_153 : vector<16xi32>
      tpu.vector_store_idx %arg6[%sub3A_152, %add3A_154], %broadcast_in_dim3A_3 masked %lt3A : memref<120x512xf32, #tpu.memory_space<vmem>>[vector<16xi32>, vector<16xi32>], vector<16xf32>, vector<16xi1>
      %mul3A_155 = arith.constant 4 : i32
      %mul3A_156 = arith.muli %scan3A_143, %mul3A_155 : i32
      %add3A_157 = arith.constant 1 : i32
      %add3A_158 = arith.addi %mul3A_156, %add3A_157 : i32
      %mul3A_159 = arith.constant 16 : i32
      %mul3A_160 = arith.muli %add3A_158, %mul3A_159 : i32
      %get3A_161 = arith.index_cast %mul3A_160 : i32 to index
      %get3A_162 = tpu.vector_load %arg4[%get3A_161] {strides = array<i32>} : memref<512xi32, #tpu.memory_space<vmem>>, vector<16xi32>,
      %sub3A_163 = arith.constant 720 : i32
      %sub3A_164 = vector.broadcast %sub3A_163 : i32 to vector<16xi32>
      %sub3A_165 = arith.subi %get3A_162, %sub3A_164 : vector<16xi32>
      %bitcast3A_166 = vector.bitcast %sub3A_165 : vector<16xi32> to vector<16xi32>
      %lt3A_167 = arith.cmpi ult, %bitcast3A_166, %broadcast_in_dim3A_98 : vector<16xi32>
      %add3A_168 = vector.broadcast %mul3A_160 : i32 to vector<16xi32>
      %add3A_169 = arith.addi %iota3A, %add3A_168 : vector<16xi32>
      tpu.vector_store_idx %arg6[%sub3A_165, %add3A_169], %broadcast_in_dim3A_3 masked %lt3A_167 : memref<120x512xf32, #tpu.memory_space<vmem>>[vector<16xi32>, vector<16xi32>], vector<16xf32>, vector<16xi1>
      %mul3A_170 = arith.constant 4 : i32
      %mul3A_171 = arith.muli %scan3A_143, %mul3A_170 : i32
      %add3A_172 = arith.constant 2 : i32
      %add3A_173 = arith.addi %mul3A_171, %add3A_172 : i32
      %mul3A_174 = arith.constant 16 : i32
      %mul3A_175 = arith.muli %add3A_173, %mul3A_174 : i32
      %get3A_176 = arith.index_cast %mul3A_175 : i32 to index
      %get3A_177 = tpu.vector_load %arg4[%get3A_176] {strides = array<i32>} : memref<512xi32, #tpu.memory_space<vmem>>, vector<16xi32>,
      %sub3A_178 = arith.constant 720 : i32
      %sub3A_179 = vector.broadcast %sub3A_178 : i32 to vector<16xi32>
      %sub3A_180 = arith.subi %get3A_177, %sub3A_179 : vector<16xi32>
      %bitcast3A_181 = vector.bitcast %sub3A_180 : vector<16xi32> to vector<16xi32>
      %lt3A_182 = arith.cmpi ult, %bitcast3A_181, %broadcast_in_dim3A_98 : vector<16xi32>
      %add3A_183 = vector.broadcast %mul3A_175 : i32 to vector<16xi32>
      %add3A_184 = arith.addi %iota3A, %add3A_183 : vector<16xi32>
      tpu.vector_store_idx %arg6[%sub3A_180, %add3A_184], %broadcast_in_dim3A_3 masked %lt3A_182 : memref<120x512xf32, #tpu.memory_space<vmem>>[vector<16xi32>, vector<16xi32>], vector<16xf32>, vector<16xi1>
      %mul3A_185 = arith.constant 4 : i32
      %mul3A_186 = arith.muli %scan3A_143, %mul3A_185 : i32
      %add3A_187 = arith.constant 3 : i32
      %add3A_188 = arith.addi %mul3A_186, %add3A_187 : i32
      %mul3A_189 = arith.constant 16 : i32
      %mul3A_190 = arith.muli %add3A_188, %mul3A_189 : i32
      %get3A_191 = arith.index_cast %mul3A_190 : i32 to index
      %get3A_192 = tpu.vector_load %arg4[%get3A_191] {strides = array<i32>} : memref<512xi32, #tpu.memory_space<vmem>>, vector<16xi32>,
      %sub3A_193 = arith.constant 720 : i32
      %sub3A_194 = vector.broadcast %sub3A_193 : i32 to vector<16xi32>
      %sub3A_195 = arith.subi %get3A_192, %sub3A_194 : vector<16xi32>
      %bitcast3A_196 = vector.bitcast %sub3A_195 : vector<16xi32> to vector<16xi32>
      %lt3A_197 = arith.cmpi ult, %bitcast3A_196, %broadcast_in_dim3A_98 : vector<16xi32>
      %add3A_198 = vector.broadcast %mul3A_190 : i32 to vector<16xi32>
      %add3A_199 = arith.addi %iota3A, %add3A_198 : vector<16xi32>
      tpu.vector_store_idx %arg6[%sub3A_195, %add3A_199], %broadcast_in_dim3A_3 masked %lt3A_197 : memref<120x512xf32, #tpu.memory_space<vmem>>[vector<16xi32>, vector<16xi32>], vector<16xf32>, vector<16xi1>
    }
    %scan3A_104 = arith.constant 8 : i32
    %broadcast_in_dim3A_105 = arith.constant 40 : i32
    %broadcast_in_dim3A_106 = vector.broadcast %broadcast_in_dim3A_105 : i32 to vector<16xi32>
    %scan3A_107 = arith.constant 0 : i32
    %scan3A_108 = arith.constant 0 : i32
    %scan3A_109 = arith.constant 8 : i32
    %scan3A_110 = arith.addi %scan3A_108, %scan3A_109 : i32
    %scan3A_111 = arith.constant 1 : i32
    scf.for %scan3A_143 = %scan3A_108 to %scan3A_110 step %scan3A_111  : i32 {
      %mul3A_144 = arith.constant 4 : i32
      %mul3A_145 = arith.muli %scan3A_143, %mul3A_144 : i32
      %add3A_146 = arith.constant 0 : i32
      %add3A_147 = arith.addi %mul3A_145, %add3A_146 : i32
      %mul3A_148 = arith.constant 16 : i32
      %mul3A_149 = arith.muli %add3A_147, %mul3A_148 : i32
      %get3A = arith.index_cast %mul3A_149 : i32 to index
      %get3A_150 = tpu.vector_load %arg4[%get3A] {strides = array<i32>} : memref<512xi32, #tpu.memory_space<vmem>>, vector<16xi32>,
      %sub3A = arith.constant 960 : i32
      %sub3A_151 = vector.broadcast %sub3A : i32 to vector<16xi32>
      %sub3A_152 = arith.subi %get3A_150, %sub3A_151 : vector<16xi32>
      %bitcast3A = vector.bitcast %sub3A_152 : vector<16xi32> to vector<16xi32>
      %lt3A = arith.cmpi ult, %bitcast3A, %broadcast_in_dim3A_106 : vector<16xi32>
      %add3A_153 = vector.broadcast %mul3A_149 : i32 to vector<16xi32>
      %add3A_154 = arith.addi %iota3A, %add3A_153 : vector<16xi32>
      tpu.vector_store_idx %arg6[%sub3A_152, %add3A_154], %broadcast_in_dim3A_5 masked %lt3A : memref<120x512xf32, #tpu.memory_space<vmem>>[vector<16xi32>, vector<16xi32>], vector<16xf32>, vector<16xi1>
      %mul3A_155 = arith.constant 4 : i32
      %mul3A_156 = arith.muli %scan3A_143, %mul3A_155 : i32
      %add3A_157 = arith.constant 1 : i32
      %add3A_158 = arith.addi %mul3A_156, %add3A_157 : i32
      %mul3A_159 = arith.constant 16 : i32
      %mul3A_160 = arith.muli %add3A_158, %mul3A_159 : i32
      %get3A_161 = arith.index_cast %mul3A_160 : i32 to index
      %get3A_162 = tpu.vector_load %arg4[%get3A_161] {strides = array<i32>} : memref<512xi32, #tpu.memory_space<vmem>>, vector<16xi32>,
      %sub3A_163 = arith.constant 960 : i32
      %sub3A_164 = vector.broadcast %sub3A_163 : i32 to vector<16xi32>
      %sub3A_165 = arith.subi %get3A_162, %sub3A_164 : vector<16xi32>
      %bitcast3A_166 = vector.bitcast %sub3A_165 : vector<16xi32> to vector<16xi32>
      %lt3A_167 = arith.cmpi ult, %bitcast3A_166, %broadcast_in_dim3A_106 : vector<16xi32>
      %add3A_168 = vector.broadcast %mul3A_160 : i32 to vector<16xi32>
      %add3A_169 = arith.addi %iota3A, %add3A_168 : vector<16xi32>
      tpu.vector_store_idx %arg6[%sub3A_165, %add3A_169], %broadcast_in_dim3A_5 masked %lt3A_167 : memref<120x512xf32, #tpu.memory_space<vmem>>[vector<16xi32>, vector<16xi32>], vector<16xf32>, vector<16xi1>
      %mul3A_170 = arith.constant 4 : i32
      %mul3A_171 = arith.muli %scan3A_143, %mul3A_170 : i32
      %add3A_172 = arith.constant 2 : i32
      %add3A_173 = arith.addi %mul3A_171, %add3A_172 : i32
      %mul3A_174 = arith.constant 16 : i32
      %mul3A_175 = arith.muli %add3A_173, %mul3A_174 : i32
      %get3A_176 = arith.index_cast %mul3A_175 : i32 to index
      %get3A_177 = tpu.vector_load %arg4[%get3A_176] {strides = array<i32>} : memref<512xi32, #tpu.memory_space<vmem>>, vector<16xi32>,
      %sub3A_178 = arith.constant 960 : i32
      %sub3A_179 = vector.broadcast %sub3A_178 : i32 to vector<16xi32>
      %sub3A_180 = arith.subi %get3A_177, %sub3A_179 : vector<16xi32>
      %bitcast3A_181 = vector.bitcast %sub3A_180 : vector<16xi32> to vector<16xi32>
      %lt3A_182 = arith.cmpi ult, %bitcast3A_181, %broadcast_in_dim3A_106 : vector<16xi32>
      %add3A_183 = vector.broadcast %mul3A_175 : i32 to vector<16xi32>
      %add3A_184 = arith.addi %iota3A, %add3A_183 : vector<16xi32>
      tpu.vector_store_idx %arg6[%sub3A_180, %add3A_184], %broadcast_in_dim3A_5 masked %lt3A_182 : memref<120x512xf32, #tpu.memory_space<vmem>>[vector<16xi32>, vector<16xi32>], vector<16xf32>, vector<16xi1>
      %mul3A_185 = arith.constant 4 : i32
      %mul3A_186 = arith.muli %scan3A_143, %mul3A_185 : i32
      %add3A_187 = arith.constant 3 : i32
      %add3A_188 = arith.addi %mul3A_186, %add3A_187 : i32
      %mul3A_189 = arith.constant 16 : i32
      %mul3A_190 = arith.muli %add3A_188, %mul3A_189 : i32
      %get3A_191 = arith.index_cast %mul3A_190 : i32 to index
      %get3A_192 = tpu.vector_load %arg4[%get3A_191] {strides = array<i32>} : memref<512xi32, #tpu.memory_space<vmem>>, vector<16xi32>,
      %sub3A_193 = arith.constant 960 : i32
      %sub3A_194 = vector.broadcast %sub3A_193 : i32 to vector<16xi32>
      %sub3A_195 = arith.subi %get3A_192, %sub3A_194 : vector<16xi32>
      %bitcast3A_196 = vector.bitcast %sub3A_195 : vector<16xi32> to vector<16xi32>
      %lt3A_197 = arith.cmpi ult, %bitcast3A_196, %broadcast_in_dim3A_106 : vector<16xi32>
      %add3A_198 = vector.broadcast %mul3A_190 : i32 to vector<16xi32>
      %add3A_199 = arith.addi %iota3A, %add3A_198 : vector<16xi32>
      tpu.vector_store_idx %arg6[%sub3A_195, %add3A_199], %broadcast_in_dim3A_5 masked %lt3A_197 : memref<120x512xf32, #tpu.memory_space<vmem>>[vector<16xi32>, vector<16xi32>], vector<16xf32>, vector<16xi1>
    }
    %scan3A_112 = arith.constant 8 : i32
    %dma_start3A_113 = arith.constant 0 : i32
    %dma_start3A_114 = arith.constant 0 : i32
    %dma_start3A_115 = tpu.memref_slice %arg6[%dma_start3A_113, %dma_start3A_114] : memref<120x512xf32, #tpu.memory_space<vmem>> -> memref<40x512xf32, #tpu.memory_space<vmem>>
    %dma_start3A_116 = arith.constant 960 : i32
    %dma_start3A_117 = tpu.memref_slice %arg3[%dma_start3A_116, %mul3A_2] : memref<1000x16384xf32, #tpu.memory_space<hbm>> -> memref<40x512xf32, #tpu.memory_space<hbm>>
    %dma_start3A_118 = arith.constant 960 : i32
    %dma_start3A_119 = tpu.memref_slice %arg3[%dma_start3A_118, %mul3A_2] : memref<1000x16384xf32, #tpu.memory_space<hbm>> -> memref<40x512xf32, #tpu.memory_space<hbm>>
    %dma_start3A_120 = arith.constant 0 : i32
    %dma_start3A_121 = arith.constant 0 : i32
    %dma_start3A_122 = tpu.memref_slice %arg6[%dma_start3A_120, %dma_start3A_121] : memref<120x512xf32, #tpu.memory_space<vmem>> -> memref<40x512xf32, #tpu.memory_space<vmem>>
    tpu.enqueue_dma source(%dma_start3A_122 : memref<40x512xf32, #tpu.memory_space<vmem>>) target(%dma_start3A_119 : memref<40x512xf32, #tpu.memory_space<hbm>>) target_semaphore(%arg8 : memref<!tpu.dma_semaphore, #tpu.memory_space<semaphore_mem>>)
    %dma_wait3A_123 = arith.constant 0 : i32
    %dma_wait3A_124 = arith.constant 0 : i32
    %dma_wait3A_125 = tpu.memref_slice %arg5[%dma_wait3A_123, %dma_wait3A_124] : memref<120x512xf32, #tpu.memory_space<vmem>> -> memref<120x512xf32, #tpu.memory_space<vmem>>
    %dma_wait3A_126 = arith.constant 840 : i32
    %dma_wait3A_127 = tpu.memref_slice %arg3[%dma_wait3A_126, %mul3A_2] : memref<1000x16384xf32, #tpu.memory_space<hbm>> -> memref<120x512xf32, #tpu.memory_space<hbm>>
    %dma_wait3A_128 = arith.constant 840 : i32
    %dma_wait3A_129 = tpu.memref_slice %arg3[%dma_wait3A_128, %mul3A_2] : memref<1000x16384xf32, #tpu.memory_space<hbm>> -> memref<120x512xf32, #tpu.memory_space<hbm>>
    %dma_wait3A_130 = arith.constant 0 : i32
    %dma_wait3A_131 = arith.constant 0 : i32
    %dma_wait3A_132 = tpu.memref_slice %arg5[%dma_wait3A_130, %dma_wait3A_131] : memref<120x512xf32, #tpu.memory_space<vmem>> -> memref<120x512xf32, #tpu.memory_space<vmem>>
    tpu.wait_dma2 semaphore(%arg7 : memref<!tpu.dma_semaphore, #tpu.memory_space<semaphore_mem>>) src(%dma_wait3A_132 : memref<120x512xf32, #tpu.memory_space<vmem>>) dst(%dma_wait3A_129 : memref<120x512xf32, #tpu.memory_space<hbm>>)
    %dma_wait3A_133 = arith.constant 0 : i32
    %dma_wait3A_134 = arith.constant 0 : i32
    %dma_wait3A_135 = tpu.memref_slice %arg6[%dma_wait3A_133, %dma_wait3A_134] : memref<120x512xf32, #tpu.memory_space<vmem>> -> memref<40x512xf32, #tpu.memory_space<vmem>>
    %dma_wait3A_136 = arith.constant 960 : i32
    %dma_wait3A_137 = tpu.memref_slice %arg3[%dma_wait3A_136, %mul3A_2] : memref<1000x16384xf32, #tpu.memory_space<hbm>> -> memref<40x512xf32, #tpu.memory_space<hbm>>
    %dma_wait3A_138 = arith.constant 960 : i32
    %dma_wait3A_139 = tpu.memref_slice %arg3[%dma_wait3A_138, %mul3A_2] : memref<1000x16384xf32, #tpu.memory_space<hbm>> -> memref<40x512xf32, #tpu.memory_space<hbm>>
    %dma_wait3A_140 = arith.constant 0 : i32
    %dma_wait3A_141 = arith.constant 0 : i32
    %dma_wait3A_142 = tpu.memref_slice %arg6[%dma_wait3A_140, %dma_wait3A_141] : memref<120x512xf32, #tpu.memory_space<vmem>> -> memref<40x512xf32, #tpu.memory_space<vmem>>
    tpu.wait_dma2 semaphore(%arg8 : memref<!tpu.dma_semaphore, #tpu.memory_space<semaphore_mem>>) src(%dma_wait3A_142 : memref<40x512xf32, #tpu.memory_space<vmem>>) dst(%dma_wait3A_139 : memref<40x512xf32, #tpu.memory_space<hbm>>)
    return
  }
}

module attributes {stable_mosaic.version = 14 : i64} {
  func.func @_tc_body(%arg0: i32, %arg1: i32, %arg2: memref<2048xi32, #tpu.memory_space<vmem>>, %arg3: memref<1000x16384xf32, #tpu.memory_space<any>>, %arg4: memref<120x2048xf32, #tpu.memory_space<vmem>>) attributes {dimension_semantics = [#tpu.dimension_semantics<arbitrary>, #tpu.dimension_semantics<arbitrary>], iteration_bounds = array<i64: 5, 8>, scalar_prefetch = 0 : i64, scratch_operands = 0 : i64, tpu.core_type = #tpu.core_type<tc>, window_params = [{transform_indices = @transform_0, window_bounds = array<i64: 2048>}, {}, {transform_indices = @transform_2, window_bounds = array<i64: 120, 2048>}]} {
    %iota3A = tpu.iota {dimensions = array<i32: 0>} : vector<120x2048xi32>
    %mul3A = arith.constant 120 : i32
    %mul3A_0 = arith.muli %arg0, %mul3A : i32
    %add3A = vector.broadcast %mul3A_0 : i32 to vector<120x2048xi32>
    %add3A_1 = arith.addi %iota3A, %add3A : vector<120x2048xi32>
    %get3A = arith.constant 0 : index
    %get3A_2 = vector.load %arg2[%get3A] : memref<2048xi32, #tpu.memory_space<vmem>>, vector<2048xi32>
    %broadcast_in_dim3A = vector.shape_cast %get3A_2 : vector<2048xi32> to vector<1x2048xi32>
    %eq3A = vector.broadcast %broadcast_in_dim3A : vector<1x2048xi32> to vector<120x2048xi32>
    %eq3A_3 = arith.cmpi eq, %add3A_1, %eq3A : vector<120x2048xi32>
    %convert_element_type3A = arith.extui %eq3A_3 : vector<120x2048xi1> to vector<120x2048xi32>
    %convert_element_type3A_4 = arith.sitofp %convert_element_type3A : vector<120x2048xi32> to vector<120x2048xf32>
    %swap3A = arith.constant 0 : index
    %swap3A_5 = arith.constant 0 : index
    %swap3A_6 = vector.load %arg4[%swap3A, %swap3A_5] : memref<120x2048xf32, #tpu.memory_space<vmem>>, vector<120x2048xf32>
    tpu.vector_store %arg4[%swap3A, %swap3A_5], %convert_element_type3A_4 {strides = array<i32>} : memref<120x2048xf32, #tpu.memory_space<vmem>>, vector<120x2048xf32>,
    return
  }
  func.func @transform_0(%arg0: i32, %arg1: i32) -> i32 {
    %c0_i32 = arith.constant 0 : i32
    return %arg1 : i32
  }
  func.func @transform_2(%arg0: i32, %arg1: i32) -> (i32, i32) {
    %c0_i32 = arith.constant 0 : i32
    return %arg0, %arg1 : i32, i32
  }
}

</mosaic_0001>

<sc_bundles>
// kernel: kernel.4.cloned.1.call-start
scs
__scs_entry_jumppad:
0x0: {  	(pc) =	sbr.rel $0x88, $3  }
0x1: {  	(tag) =	ssettag $0x0;
	lr =	simm.s32 $0x1  }
0x2: {  	[smem:$0x3FA0] =	sst lr;
	_ =	strace $0xD0000000  }
0x3: {  	_ = 	snop  }
0x4: {  	_ = 	snop  }
0x5: {  	_ = 	snop  }
0x6: {  	_ = 	snop  }
0x7: {  	_ = 	snop  }
__scs_overlays_trampoline_lowered:
0x8: {  	[smem:$0x3FAF] =	sst s0  }
0x9: {  	[smem:$0x3FB0] =	sst s1  }
0xa: {  	[smem:$0x3FB1] =	sst s2  }
0xb: {  	[smem:$0x3FB2] =	sst s3  }
0xc: {  	[smem:$0x3FB3] =	sst s4  }
0xd: {  	[smem:$0x3FB4] =	sst s5  }
0xe: {  	[smem:$0x3FB5] =	sst s6  }
0xf: {  	[smem:$0x3FB6] =	sst s7  }
0x10: {  	[smem:$0x3FB7] =	sst s8  }
0x11: {  	[smem:$0x3FB8] =	sst s9;
	s0 =	simm.s32 @!p0 $0x0  }
0x12: {  	s1 =	sld [smem:$0x3F9E];
	s0 =	simm.s32 @p0 $0x1  }
0x13: {  	[smem:$0x3FB9] =	sst s0;
	s0 =	simm.s32 @!p1 $0x0  }
0x14: {  	s2 =	sld [smem:$0x3F9D];
	s0 =	simm.s32 @p1 $0x1  }
0x15: {  	[smem:$0x3FBA] =	sst s0;
	s0 =	simm.s32 @!p2 $0x0  }
0x16: {  	s3 =	sld [smem:$0x3FDB];
	s0 =	simm.s32 @p2 $0x1  }
0x17: {  	s4 =	simm.s32 $0x1BF5;
	[smem:$0x3FBC] =	sst s0  }
0x18: {  	s0 =	sld [smem:$0x3F9F];
	_ =	swait.ge [sflag:s4], $0x0  }
0x19: {  	s7 =	sld [smem:$0x3FA0]  }
0x1a: {  	s8 =	sadd.s32 $0xFFFFE003, lr  }
0x1b: {  	s9 =	sadd.s32 $0xFFFFFEF7, lr;
	s5 =	simm.s32 $0xFFFFFFFF;
	p2 =	slt.u32 s8, $0xFFFFF086  }
0x1c: {  	p1 =	slt.u32 s9, $0xF7A;
	s5 =	simm.s32 @!p2 $0x0  }
0x1d: {  	s5 =	simm.s32 @p1 $0x1;
	p0 =	seq.s32 s7, s2  }
0x1e: {  	s7 =	smul.u32 @!p0 $0xF7A, s2;
	p2 =	seq.s32 @!p0 s5, $0x0  }
0x1f: {  	s9 =	smul.u32 $0xF7A, s1;
	s8 =	simm.s32 @!p0 $0x1BF5;
	p2 =	por !p2, p0  }
0x20: {  	[sflag:s8] =	ssyncset.s32 @!p0 $0xFFFFF086;
	s6 =	sadd.s32 @!p0 s3, s7;
	s7 =	simm.s32 @!p0 $0x108  }
0x21: {  	s3 =	sadd.s32 s3, s9;
	s6 =	sadd.s32 @!p0 $0x88, s6;
	s7 =	simm.s32 @p2 $0x1082  }
0x22: {  	[simem:s7], [sflag:s8] =	dma.local @!p0 [hbm:s6], $0xF7A  }
0x23: {  	s9 =	sor.u32 $0xD0000000, s2;
	s6 =	simm.s32 $0x108;
	_ =	swait.ge @!p0 [sflag:s8], $0x0  }
0x24: {  	s3 =	sadd.s32 $0x88, s3;
	s6 =	simm.s32 @!p1 $0x1082;
	[sflag:s4] =	ssyncset.s32 $0xFFFFF086  }
0x25: {  	[simem:s6], [sflag:s4] =	dma.local [hbm:s3], $0xF7A  }
0x26: {  	[smem:$0x3FA0] =	sst s1;
	(tag) =	ssettag s2;
	_ =	strace s9  }
0x27: {  	s1 =	sld [smem:$0x3FB0]  }
0x28: {  	s2 =	sld [smem:$0x3FB1]  }
0x29: {  	s4 =	sld [smem:$0x3FB3]  }
0x2a: {  	p0 =	seq.s32 s5, $0x0;
	s5 =	sld [smem:$0x3FB4]  }
0x2b: {  	s6 =	sld [smem:$0x3FB5]  }
0x2c: {  	s7 =	sld [smem:$0x3FB6]  }
0x2d: {  	s3 =	simm.s32 $0x108;
	s8 =	sld [smem:$0x3FB7]  }
0x2e: {  	s3 =	simm.s32 @!p0 $0x1082;
	s9 =	sld [smem:$0x3FB8]  }
0x2f: {  	lr =	sadd.s32 s0, s3;
	s0 =	sld [smem:$0x3FAF]  }
0x30: {  	s3 =	sld [smem:$0x3FB2]  }
0x31: {  	[smem:$0x3FBB] =	sst s10  }
0x32: {  	s10 =	sld [smem:$0x3FB9];
	_ =	sdelay $0x3  }
0x33: {  	p0 =	seq.s32 s10, $0x1;
	s10 =	sld [smem:$0x3FBB];
	_ =	sdelay $0x3  }
0x34: {  	[smem:$0x3FBB] =	sst s10  }
0x35: {  	s10 =	sld [smem:$0x3FBA];
	_ =	sdelay $0x3  }
0x36: {  	p1 =	seq.s32 s10, $0x1;
	s10 =	sld [smem:$0x3FBB];
	_ =	sdelay $0x3  }
0x37: {  	[smem:$0x3FBB] =	sst s10  }
0x38: {  	s10 =	sld [smem:$0x3FBC]  }
0x39: {  	_ = 	snop;
	(pc) =	sbr.ind lr, $3  }
0x3a: {  	_ = 	snop  }
0x3b: {  	_ = 	snop  }
0x3c: {  	p2 =	seq.s32 s10, $0x1;
	s10 =	sld [smem:$0x3FBB]  }
0x3d: {  	_ =	shalt  }
0x3e: {  	_ =	shalt  }
0x3f: {  	_ =	shalt  }
0x40: {  	_ =	shalt  }
0x41: {  	_ =	shalt  }
0x42: {  	_ =	shalt  }
0x43: {  	_ =	shalt  }
0x44: {  	_ =	shalt  }
0x45: {  	_ =	shalt  }
0x46: {  	_ =	shalt  }
0x47: {  	_ =	shalt  }
0x48: {  	_ =	shalt  }
0x49: {  	_ =	shalt  }
0x4a: {  	_ =	shalt  }
0x4b: {  	_ =	shalt  }
0x4c: {  	_ =	shalt  }
0x4d: {  	_ =	shalt  }
0x4e: {  	_ =	shalt  }
0x4f: {  	_ =	shalt  }
0x50: {  	_ =	shalt  }
0x51: {  	_ =	shalt  }
0x52: {  	_ =	shalt  }
0x53: {  	_ =	shalt  }
0x54: {  	_ =	shalt  }
0x55: {  	_ =	shalt  }
0x56: {  	_ =	shalt  }
0x57: {  	_ =	shalt  }
0x58: {  	_ =	shalt  }
0x59: {  	_ =	shalt  }
0x5a: {  	_ =	shalt  }
0x5b: {  	_ =	shalt  }
0x5c: {  	_ =	shalt  }
0x5d: {  	_ =	shalt  }
0x5e: {  	_ =	shalt  }
0x5f: {  	_ =	shalt  }
0x60: {  	_ =	shalt  }
0x61: {  	_ =	shalt  }
0x62: {  	_ =	shalt  }
0x63: {  	_ =	shalt  }
0x64: {  	_ =	shalt  }
0x65: {  	_ =	shalt  }
0x66: {  	_ =	shalt  }
0x67: {  	_ =	shalt  }
0x68: {  	_ =	shalt  }
0x69: {  	_ =	shalt  }
0x6a: {  	_ =	shalt  }
0x6b: {  	_ =	shalt  }
0x6c: {  	_ =	shalt  }
0x6d: {  	_ =	shalt  }
0x6e: {  	_ =	shalt  }
0x6f: {  	_ =	shalt  }
0x70: {  	_ =	shalt  }
0x71: {  	_ =	shalt  }
0x72: {  	_ =	shalt  }
0x73: {  	_ =	shalt  }
0x74: {  	_ =	shalt  }
0x75: {  	_ =	shalt  }
0x76: {  	_ =	shalt  }
0x77: {  	_ =	shalt  }
0x78: {  	_ =	shalt  }
0x79: {  	_ =	shalt  }
0x7a: {  	_ =	shalt  }
0x7b: {  	_ =	shalt  }
0x7c: {  	_ =	shalt  }
0x7d: {  	_ =	shalt  }
0x7e: {  	_ =	shalt  }
0x7f: {  	_ =	shalt  }
0x80: {  	_ =	shalt  }
0x81: {  	_ =	shalt  }
0x82: {  	_ =	shalt  }
0x83: {  	_ =	shalt  }
0x84: {  	_ =	shalt  }
0x85: {  	_ =	shalt  }
0x86: {  	_ =	shalt  }
0x87: {  	_ =	shalt  }
.Lfunc_end0:
.L_simem_size_0:
called_computation_lowered:
.L_overlay_start_0:
0x88: {  	s2 =	sld [smem:$0x3FD9]  }
0x89: {  	s3 =	sld [smem:$0x3FFE];
	_ =	sdelay $0x1  }
0x8a: {  	s1 =	srdreg.scid  }
0x8b: {  	s0 =	sand.u32 $0x1, s1  }
0x8c: {  	s18 =	sshll.u32 s0, $0xA;
	s2 =	sadd.s32 s3, s2  }
0x8d: {  	s2 =	sadd.s32 s2, s18  }
0x8e: {  	[smem:$0x3FC7] =	sst s2  }
0x8f: {  	_ = 	snop  }
0x90: {  	s2 =	sld [smem:$0x3FC9]  }
0x91: {  	s19 =	sld [smem:$0x3FD0];
	(tm) =	ssettm $0x1  }
0x92: {  	s4 =	sld [smem:$0x3FFB];
	_ =	sdelay $0x3  }
0x93: {  	_ =	strace s4  }
0x94: {  	s4 =	sld [smem:$0x3FFC];
	_ =	sdelay $0x3  }
0x95: {  	_ =	strace s4  }
0x96: {  	s4 =	sld [smem:$0x3FFD];
	_ =	sdelay $0x3  }
0x97: {  	_ =	strace s4  }
0x98: {  	_ =	strace $0x8FFFFFFF  }
0x99: {  	s20 =	sld [smem:$0x3FDB];
	_ =	sdelay $0x1  }
0x9a: {  	s5 =	simm.s32 $_scs_section_size  }
0x9b: {  	s6 =	simm.s32 $_size__tile_overlayer_lowered;
	s7 =	simm.s32 $_tile_overlayer_lowered  }
0x9c: {  	s23 =	simm.s32 $0x1BFF;
	s22 =	sshll.u32 s7, $0x1;
	s4 =	sadd.s32 s5, s20  }
0x9d: {  	s8 =	simm.s32 $0x0;
	s21 =	sshll.u32 s6, $0x1;
	s6 =	sadd.s32 s22, s4  }
0x9e: {  	[timem:s8], [sflag:s23] =	dma.local [hbm:s6], s21  }
0x9f: {  	_ =	swait.ge [sflag:s23], s21  }
0xa0: {  	s5 =	ssub.s32 $0x0, s21;
	[sflag:s23] =	ssyncset.done $0x0  }
0xa1: {  	[sflag:s23] =	ssyncadd.s32 s5;
	_ =	sdelay $0x1  }
0xa2: {  	s24 =	simm.s32 $0x1B8B  }
0xa3: {  	_ =	swait.ge [sflag:s24], $0x1  }
0xa4: {  	[sflag:s24] =	ssyncset.done $0x0  }
0xa5: {  	s25 =	simm.s32 $0x1B8E;
	[sflag:s24] =	ssyncadd.s32 $0xFFFFFFFF  }
0xa6: {  	s26 =	simm.s32 $execute0_lowered;
	[smem:$0x3FD2] =	sst s25  }
0xa7: {  	s5 =	sshll.u32 s26, $0x1;
	_ =	strace $0x80000046;
	[dreg:$0x1] =	wrdreg $0xFFFFFFFF  }
0xa8: {  	s28 =	simm.s32 $_size_execute0_lowered;
	s4 =	sadd.s32 s4, s5;
	[dreg:$0x0] =	wrdreg $0x0  }
0xa9: {  	s5 =	sshll.u32 s28, $0x1;
	[dreg:$0x2] =	wrdreg s4  }
0xaa: {  	[dreg:$0x3] =	wrdreg s5  }
0xab: {  	[dreg:$0x4] =	wrdreg $0xC0  }
0xac: {  	_ =	task [dreg:s8], $0x5FFFF  }
0xad: {  	[dreg:$0x1] =	wrdreg $0xFFFFFFFF  }
0xae: {  	[dreg:$0x0] =	wrdreg $0x60  }
0xaf: {  	[dreg:$0x2] =	wrdreg s2  }
0xb0: {  	[dreg:$0x3] =	wrdreg s19  }
0xb1: {  	[dreg:$0x4] =	wrdreg $0x9  }
0xb2: {  	_ =	task.clear_ibuf [dreg:s8], $0x5FFFF;
	_ =	strace $0x90000046  }
0xb3: {  	s29 =	simm.s32 $0x9;
	_ =	strace $0x80000048  }
0xb4: {  	_ =	swait.ge [sflag:s29], $0x1  }
0xb5: {  	[sflag:s29] =	ssyncadd.s32 $0xFFFFFFFF  }
0xb6: {  	_ =	strace $0x90000048  }
0xb7: {  	_ =	sfence  }
0xb8: {  	s30 =	sld [smem:$0x0];
	_ =	sdelay $0x2  }
0xb9: {  	s31 =	sshll.u32 s1, $0xD;
	s1 =	sshrl.u32 s1, $0x2  }
0xba: {  	s3 =	sand.u32 $0x4000, s31;
	s1 =	sadd.s32 s1, s30  }
0xbb: {  	s0 =	sor.u32 s3, s0;
	s1 =	sshll.u32 s1, $0x11  }
0xbc: {  	s0 =	sor.u32 s1, s0  }
0xbd: {  	s0 =	sadd.s32 $0x8F2B, s0  }
0xbe: {  	[sflag:s0] =	ssyncadd.remote.s32 $0x1  }
0xbf: {  	_ =	sfence.sel $0xFFFF  }
0xc0: {  	[dreg:$0x0] =	wrdreg $0xFFFFFFFF;
	(pc) =	sbr.abs _section_cstart, $3  }
0xc1: {  	[dreg:$0x1] =	wrdreg $0xFFFFFFFF  }
0xc2: {  	_ =	task.clear_ibuf [dreg:s8], $0x2FFFF;
	_ =	strace $0x9FFFFFFF  }
0xc3: {  	(tm) =	ssettm $0x7FFFFFFF  }
tec
execute0_lowered:
.L_overlay_start_1:
0x0: {  	(tag) =	ssettag $0x1  }
0x1: {  	s3 =	rddreg [dreg:$0x0]  }
0x2: {  	s4 =	rddreg [dreg:$0x1]  }
0x3: {  	s0 =	rddreg [dreg:$0x2];
	s5 =	srdreg.scid  }
0x4: {  	s2 =	simm.s32 $0x0;
	s1 =	stileid.u32;
	s11 =	simm.s32 $0x1000  }
0x5: {  	s12 =	simm.s32 $0x20000;
	s13 =	simm.s32 $0xF200;
	s14 =	simm.s32 $0x1  }
0x6: {  	s15 =	simm.s32 $0x2;
	s16 =	simm.s32 $0x0;
	s5 =	sand.u32 $0x1, s5  }
0x7: {  	[smem:$0x7FF] =	sst s2;
	s6 =	sshll.u32 s1, $0xA;
	s7 =	sshll.u32 s5, $0x9  }
0x8: {  	_ =	strace $0x80000047;
	s5 =	ssub.s32 $0x2, s5;
	s6 =	sor.u32 s7, s6  }
0x9: {  	s31 =	sshrl.u32 s5, $0x1;
	s8 =	sshrl.u32 s6, $0x3;
	s9 =	sadd.s32 s6, s4  }
0xa: {  	s10 =	ssub.s32 s5, s31;
	s3 =	sadd.s32 s3, s8;
	s4 =	sadd.s32 $0x12C000, s9  }
0xb: {  	s5 =	sadd.s32 $0x168000, s9;
	s6 =	sadd.s32 $0x1A4000, s9;
	s7 =	sadd.s32 $0x1E0000, s9  }
0xc: {  	v0 =	vimm.f32 $0.0e+00;
	v1 =	vlaneseq.u32;
	v2 =	vimm.f32 $1.000000000e+00;
	s8 =	smax.u32 s10, $0x1;
	s9 =	simm.s32 $0x3;
	s10 =	simm.s32 $0x200  }
.LBB2_1:
0xd: {  	[tilespmem:s2], [sflag:$0x3] =	stream.linear.gather [hbm4b:s3+s2], $0x200, $0x38;
	[tilespmem:$0x1E200] =	vst v63  }
0xe: {  	_ =	swait.ge [sflag:s9], $0x200  }
0xf: {  	s17 =	sand.u32 $0xF000, s2;
	s18 =	sand.u32 $0x380, s2;
	[sflag:s9] =	ssyncset.done $0x0  }
0x10: {  	s17 =	sor.u32 s18, s17;
	[sflag:s9] =	ssyncadd.s32 $0xFFFFFE00  }
0x11: {  	[tilespmem:s17+$0xE70] =	vst v0  }
0x12: {  	[tilespmem:s17+$0x200] =	vst v0  }
0x13: {  	[tilespmem:s17+$0x210] =	vst v0  }
0x14: {  	[tilespmem:s17+$0x220] =	vst v0  }
0x15: {  	[tilespmem:s17+$0x230] =	vst v0  }
0x16: {  	[tilespmem:s17+$0x240] =	vst v0  }
0x17: {  	[tilespmem:s17+$0x250] =	vst v0  }
0x18: {  	[tilespmem:s17+$0x260] =	vst v0  }
0x19: {  	[tilespmem:s17+$0x270] =	vst v0  }
0x1a: {  	[tilespmem:s17+$0x600] =	vst v0  }
0x1b: {  	[tilespmem:s17+$0x610] =	vst v0  }
0x1c: {  	[tilespmem:s17+$0x620] =	vst v0  }
0x1d: {  	[tilespmem:s17+$0x630] =	vst v0  }
0x1e: {  	[tilespmem:s17+$0x640] =	vst v0  }
0x1f: {  	[tilespmem:s17+$0x650] =	vst v0  }
0x20: {  	[tilespmem:s17+$0x660] =	vst v0  }
0x21: {  	[tilespmem:s17+$0x670] =	vst v0  }
0x22: {  	[tilespmem:s17+$0xA00] =	vst v0  }
0x23: {  	[tilespmem:s17+$0xA10] =	vst v0  }
0x24: {  	[tilespmem:s17+$0xA20] =	vst v0  }
0x25: {  	[tilespmem:s17+$0xA30] =	vst v0  }
0x26: {  	[tilespmem:s17+$0xA40] =	vst v0  }
0x27: {  	[tilespmem:s17+$0xA50] =	vst v0  }
0x28: {  	[tilespmem:s17+$0xA60] =	vst v0  }
0x29: {  	[tilespmem:s17+$0xA70] =	vst v0  }
0x2a: {  	[tilespmem:s17+$0xE00] =	vst v0  }
0x2b: {  	[tilespmem:s17+$0xE10] =	vst v0  }
0x2c: {  	[tilespmem:s17+$0xE20] =	vst v0  }
0x2d: {  	[tilespmem:s17+$0xE30] =	vst v0  }
0x2e: {  	s19 =	simm.s32 $0x200;
	s18 =	simm.s32 $0x80;
	[tilespmem:s17+$0xE40] =	vst v0  }
0x2f: {  	s20 =	sand.u32 $0xF000, s19;
	s19 =	simm.s32 $0x400;
	s21 =	sand.u32 $0x380, s18;
	[tilespmem:s17+$0xE50] =	vst v0  }
.LBB2_2:
0x30: {  	p0 =	sne.s32 s19, $0xEE00;
	[tilespmem:s17+$0xE60] =	vst v0;
	s17 =	sor.u32 s21, s20  }
0x31: {  	[tilespmem:s17+$0xE70] =	vst v0  }
0x32: {  	[tilespmem:s17+$0x200] =	vst v0  }
0x33: {  	[tilespmem:s17+$0x210] =	vst v0  }
0x34: {  	[tilespmem:s17+$0x220] =	vst v0  }
0x35: {  	[tilespmem:s17+$0x230] =	vst v0  }
0x36: {  	[tilespmem:s17+$0x240] =	vst v0  }
0x37: {  	[tilespmem:s17+$0x250] =	vst v0  }
0x38: {  	[tilespmem:s17+$0x260] =	vst v0  }
0x39: {  	[tilespmem:s17+$0x270] =	vst v0  }
0x3a: {  	[tilespmem:s17+$0x600] =	vst v0  }
0x3b: {  	[tilespmem:s17+$0x610] =	vst v0  }
0x3c: {  	[tilespmem:s17+$0x620] =	vst v0  }
0x3d: {  	[tilespmem:s17+$0x630] =	vst v0  }
0x3e: {  	[tilespmem:s17+$0x640] =	vst v0  }
0x3f: {  	[tilespmem:s17+$0x650] =	vst v0  }
0x40: {  	[tilespmem:s17+$0x660] =	vst v0  }
0x41: {  	[tilespmem:s17+$0x670] =	vst v0  }
0x42: {  	[tilespmem:s17+$0xA00] =	vst v0  }
0x43: {  	[tilespmem:s17+$0xA10] =	vst v0  }
0x44: {  	[tilespmem:s17+$0xA20] =	vst v0  }
0x45: {  	[tilespmem:s17+$0xA30] =	vst v0  }
0x46: {  	[tilespmem:s17+$0xA40] =	vst v0  }
0x47: {  	[tilespmem:s17+$0xA50] =	vst v0  }
0x48: {  	[tilespmem:s17+$0xA60] =	vst v0  }
0x49: {  	[tilespmem:s17+$0xA70] =	vst v0  }
0x4a: {  	[tilespmem:s17+$0xE00] =	vst v0  }
.Ltmp0:
0x4b: {  	[tilespmem:s17+$0xE10] =	vst v0;
	(pc) =	sbr.rel @p0 .LBB2_2-.Ltmp0, $4  }
0x4c: {  	[tilespmem:s17+$0xE20] =	vst v0  }
0x4d: {  	[tilespmem:s17+$0xE30] =	vst v0  }
0x4e: {  	s18 =	sadd.s32 $0x80, s18;
	[tilespmem:s17+$0xE40] =	vst v0  }
0x4f: {  	s20 =	sand.u32 $0xF000, s19;
	s19 =	sadd.s32 $0x200, s19;
	s21 =	sand.u32 $0x380, s18;
	[tilespmem:s17+$0xE50] =	vst v0  }
0x50: {  	s18 =	sor.u32 s21, s20;
	[tilespmem:s17+$0xE60] =	vst v0  }
0x51: {  	[tilespmem:s18+$0xE70] =	vst v0  }
0x52: {  	[tilespmem:s18+$0x200] =	vst v0  }
0x53: {  	[tilespmem:s18+$0x210] =	vst v0  }
0x54: {  	[tilespmem:s18+$0x220] =	vst v0  }
0x55: {  	[tilespmem:s18+$0x230] =	vst v0  }
0x56: {  	[tilespmem:s18+$0x240] =	vst v0  }
0x57: {  	[tilespmem:s18+$0x250] =	vst v0  }
0x58: {  	[tilespmem:s18+$0x260] =	vst v0  }
0x59: {  	[tilespmem:s18+$0x270] =	vst v0  }
0x5a: {  	[tilespmem:s18+$0x600] =	vst v0  }
0x5b: {  	[tilespmem:s18+$0x610] =	vst v0  }
0x5c: {  	[tilespmem:s18+$0x620] =	vst v0  }
0x5d: {  	[tilespmem:s18+$0x630] =	vst v0  }
0x5e: {  	[tilespmem:s18+$0x640] =	vst v0  }
0x5f: {  	[tilespmem:s18+$0x650] =	vst v0  }
0x60: {  	[tilespmem:s18+$0x660] =	vst v0  }
0x61: {  	[tilespmem:s18+$0x670] =	vst v0  }
0x62: {  	[tilespmem:s18+$0xA00] =	vst v0  }
0x63: {  	[tilespmem:s18+$0xA10] =	vst v0  }
0x64: {  	[tilespmem:s18+$0xA20] =	vst v0  }
0x65: {  	[tilespmem:s18+$0xA30] =	vst v0  }
0x66: {  	[tilespmem:s18+$0xA40] =	vst v0  }
0x67: {  	[tilespmem:s18+$0xA50] =	vst v0  }
0x68: {  	[tilespmem:s18+$0xA60] =	vst v0  }
0x69: {  	[tilespmem:s18+$0xA70] =	vst v0  }
0x6a: {  	[tilespmem:s18+$0xE00] =	vst v0  }
0x6b: {  	[tilespmem:s18+$0xE10] =	vst v0  }
0x6c: {  	[tilespmem:s18+$0xE20] =	vst v0  }
0x6d: {  	[tilespmem:s18+$0xE30] =	vst v0  }
0x6e: {  	[tilespmem:s18+$0xE40] =	vst v0  }
0x6f: {  	[tilespmem:s18+$0xE50] =	vst v0  }
0x70: {  	s17 =	simm.s32 $0x0;
	[tilespmem:s18+$0xE60] =	vst v0;
	s18 =	simm.s32 $0x20  }
.LBB2_4:
0x71: {  	v3 =	vld [tilespmem:s18+$0xFFFFFFE0];
	_ =	sdelay $0x2  }
0x72: {  	v4 =	vmov s17;
	v6 =	vor.u32 s17, v1  }
0x73: {  	v4 =	vshll.u32 v4, $0x3;
	v6 =	vand.u32 $0x4F, v6  }
0x74: {  	v4 =	vand.u32 $0xC00, v4;
	v5 =	vadd.s32 $0xFFFFFDA8, v3;
	v3 =	vshll.u32 v3, $0x7  }
0x75: {  	v4 =	vor.u32 v4, v6;
	v47 =	vshll.u32 v5, $0x9;
	v3 =	vand.u32 $0x380, v3  }
0x76: {  	vm0 =	vlt.u32 v5, $0x78;
	v48 =	vand.u32 $0xFFFFF000, v47;
	v3 =	vor.u32 v3, v4  }
0x77: {  	v3 =	vor.u32 v48, v3;
	_ =	sdelay $0x4  }
0x78: {  	[tilespmem:v3+s10+$0x0] =	vst.idx.msk vm0, v2  }
0x79: {  	v3 =	vld [tilespmem:s18+$0xFFFFFFF0];
	_ =	sdelay $0x1  }
0x7a: {  	s19 =	sadd.s32 $0x10, s17  }
0x7b: {  	v49 =	vmov s19;
	v51 =	vor.u32 s19, v1  }
0x7c: {  	v6 =	vand.u32 $0x5F, v51;
	v4 =	vshll.u32 v49, $0x3  }
0x7d: {  	v4 =	vand.u32 $0xC00, v4;
	v50 =	vadd.s32 $0xFFFFFDA8, v3;
	v3 =	vshll.u32 v3, $0x7  }
0x7e: {  	v4 =	vor.u32 v4, v6;
	v52 =	vshll.u32 v50, $0x9;
	v3 =	vand.u32 $0x380, v3  }
0x7f: {  	vm13 =	vlt.u32 v50, $0x78;
	v53 =	vand.u32 $0xFFFFF000, v52;
	v3 =	vor.u32 v3, v4  }
0x80: {  	v3 =	vor.u32 v53, v3;
	_ =	sdelay $0x4  }
0x81: {  	[tilespmem:v3+s10+$0x0] =	vst.idx.msk vm13, v2  }
0x82: {  	v3 =	vld [tilespmem:s18+$0x0];
	_ =	sdelay $0x1  }
0x83: {  	s30 =	sadd.s32 $0x20, s17  }
0x84: {  	v54 =	vmov s30;
	v56 =	vor.u32 s30, v1  }
0x85: {  	v6 =	vand.u32 $0x6F, v56;
	v4 =	vshll.u32 v54, $0x3  }
0x86: {  	v4 =	vand.u32 $0xC00, v4;
	v55 =	vadd.s32 $0xFFFFFDA8, v3;
	v3 =	vshll.u32 v3, $0x7  }
0x87: {  	v4 =	vor.u32 v4, v6;
	v57 =	vshll.u32 v55, $0x9;
	v3 =	vand.u32 $0x380, v3  }
0x88: {  	vm14 =	vlt.u32 v55, $0x78;
	v58 =	vand.u32 $0xFFFFF000, v57;
	v3 =	vor.u32 v3, v4  }
0x89: {  	v3 =	vor.u32 v58, v3;
	_ =	sdelay $0x4  }
0x8a: {  	[tilespmem:v3+s10+$0x0] =	vst.idx.msk vm14, v2  }
0x8b: {  	v3 =	vld [tilespmem:s18+$0x10];
	_ =	sdelay $0x1  }
0x8c: {  	s31 =	sadd.s32 $0x30, s17  }
0x8d: {  	v59 =	vmov s31;
	v61 =	vor.u32 s31, v1  }
0x8e: {  	v6 =	vand.u32 $0x7F, v61;
	v4 =	vshll.u32 v59, $0x3  }
0x8f: {  	v4 =	vand.u32 $0xC00, v4;
	v60 =	vadd.s32 $0xFFFFFDA8, v3;
	v3 =	vshll.u32 v3, $0x7  }
0x90: {  	v4 =	vor.u32 v4, v6;
	v62 =	vshll.u32 v60, $0x9;
	v3 =	vand.u32 $0x380, v3  }
0x91: {  	vm15 =	vlt.u32 v60, $0x78;
	v63 =	vand.u32 $0xFFFFF000, v62;
	v3 =	vor.u32 v3, v4  }
0x92: {  	p0 =	sne.s32 s17, $0x1C0;
	v3 =	vor.u32 v63, v3  }
.Ltmp1:
0x93: {  	_ = 	snop;
	(pc) =	sbr.rel @p0 .LBB2_4-.Ltmp1, $2  }
0x94: {  	_ =	sdelay $0x2  }
0x95: {  	s17 =	sadd.s32 $0x40, s17;
	s18 =	sadd.s32 $0x40, s18;
	[tilespmem:v3+s10+$0x0] =	vst.idx.msk vm15, v2  }
0x96: {  	[hbm4b:s4+s11] =	stream.strided.scatter [tilespmem:s10], [sflag:$0x1], $0xF000, s12, s11, $0x38;
	[tilespmem:$0x1E200] =	vst v63  }
0x97: {  	s17 =	simm.s32 $0x0  }
0x98: {  	s18 =	sand.u32 $0xF000, s17;
	s19 =	sand.u32 $0x380, s17  }
0x99: {  	s18 =	sor.u32 s19, s18  }
0x9a: {  	[tilespmem:s18+$0xFE70] =	vst v0  }
0x9b: {  	[tilespmem:s18+$0xF200] =	vst v0  }
0x9c: {  	[tilespmem:s18+$0xF210] =	vst v0  }
0x9d: {  	[tilespmem:s18+$0xF220] =	vst v0  }
0x9e: {  	[tilespmem:s18+$0xF230] =	vst v0  }
0x9f: {  	[tilespmem:s18+$0xF240] =	vst v0  }
0xa0: {  	[tilespmem:s18+$0xF250] =	vst v0  }
0xa1: {  	[tilespmem:s18+$0xF260] =	vst v0  }
0xa2: {  	[tilespmem:s18+$0xF270] =	vst v0  }
0xa3: {  	[tilespmem:s18+$0xF600] =	vst v0  }
0xa4: {  	[tilespmem:s18+$0xF610] =	vst v0  }
0xa5: {  	[tilespmem:s18+$0xF620] =	vst v0  }
0xa6: {  	[tilespmem:s18+$0xF630] =	vst v0  }
0xa7: {  	[tilespmem:s18+$0xF640] =	vst v0  }
0xa8: {  	[tilespmem:s18+$0xF650] =	vst v0  }
0xa9: {  	[tilespmem:s18+$0xF660] =	vst v0  }
0xaa: {  	[tilespmem:s18+$0xF670] =	vst v0  }
0xab: {  	[tilespmem:s18+$0xFA00] =	vst v0  }
0xac: {  	[tilespmem:s18+$0xFA10] =	vst v0  }
0xad: {  	[tilespmem:s18+$0xFA20] =	vst v0  }
0xae: {  	[tilespmem:s18+$0xFA30] =	vst v0  }
0xaf: {  	[tilespmem:s18+$0xFA40] =	vst v0  }
0xb0: {  	[tilespmem:s18+$0xFA50] =	vst v0  }
0xb1: {  	[tilespmem:s18+$0xFA60] =	vst v0  }
0xb2: {  	[tilespmem:s18+$0xFA70] =	vst v0  }
0xb3: {  	[tilespmem:s18+$0xFE00] =	vst v0  }
0xb4: {  	[tilespmem:s18+$0xFE10] =	vst v0  }
0xb5: {  	[tilespmem:s18+$0xFE20] =	vst v0  }
0xb6: {  	[tilespmem:s18+$0xFE30] =	vst v0  }
0xb7: {  	s20 =	simm.s32 $0x200;
	s19 =	simm.s32 $0x80;
	[tilespmem:s18+$0xFE40] =	vst v0  }
0xb8: {  	s21 =	sand.u32 $0xF000, s20;
	s20 =	simm.s32 $0x400;
	s22 =	sand.u32 $0x380, s19;
	[tilespmem:s18+$0xFE50] =	vst v0  }
.LBB2_6:
0xb9: {  	p0 =	sne.s32 s20, $0xEE00;
	[tilespmem:s18+$0xFE60] =	vst v0;
	s18 =	sor.u32 s22, s21  }
0xba: {  	[tilespmem:s18+$0xFE70] =	vst v0  }
0xbb: {  	[tilespmem:s18+$0xF200] =	vst v0  }
0xbc: {  	[tilespmem:s18+$0xF210] =	vst v0  }
0xbd: {  	[tilespmem:s18+$0xF220] =	vst v0  }
0xbe: {  	[tilespmem:s18+$0xF230] =	vst v0  }
0xbf: {  	[tilespmem:s18+$0xF240] =	vst v0  }
0xc0: {  	[tilespmem:s18+$0xF250] =	vst v0  }
0xc1: {  	[tilespmem:s18+$0xF260] =	vst v0  }
0xc2: {  	[tilespmem:s18+$0xF270] =	vst v0  }
0xc3: {  	[tilespmem:s18+$0xF600] =	vst v0  }
0xc4: {  	[tilespmem:s18+$0xF610] =	vst v0  }
0xc5: {  	[tilespmem:s18+$0xF620] =	vst v0  }
0xc6: {  	[tilespmem:s18+$0xF630] =	vst v0  }
0xc7: {  	[tilespmem:s18+$0xF640] =	vst v0  }
0xc8: {  	[tilespmem:s18+$0xF650] =	vst v0  }
0xc9: {  	[tilespmem:s18+$0xF660] =	vst v0  }
0xca: {  	[tilespmem:s18+$0xF670] =	vst v0  }
0xcb: {  	[tilespmem:s18+$0xFA00] =	vst v0  }
0xcc: {  	[tilespmem:s18+$0xFA10] =	vst v0  }
0xcd: {  	[tilespmem:s18+$0xFA20] =	vst v0  }
0xce: {  	[tilespmem:s18+$0xFA30] =	vst v0  }
0xcf: {  	[tilespmem:s18+$0xFA40] =	vst v0  }
0xd0: {  	[tilespmem:s18+$0xFA50] =	vst v0  }
0xd1: {  	[tilespmem:s18+$0xFA60] =	vst v0  }
0xd2: {  	[tilespmem:s18+$0xFA70] =	vst v0  }
0xd3: {  	[tilespmem:s18+$0xFE00] =	vst v0  }
.Ltmp2:
0xd4: {  	[tilespmem:s18+$0xFE10] =	vst v0;
	(pc) =	sbr.rel @p0 .LBB2_6-.Ltmp2, $4  }
0xd5: {  	[tilespmem:s18+$0xFE20] =	vst v0  }
0xd6: {  	[tilespmem:s18+$0xFE30] =	vst v0  }
0xd7: {  	s19 =	sadd.s32 $0x80, s19;
	[tilespmem:s18+$0xFE40] =	vst v0  }
0xd8: {  	s21 =	sand.u32 $0xF000, s20;
	s20 =	sadd.s32 $0x200, s20;
	s22 =	sand.u32 $0x380, s19;
	[tilespmem:s18+$0xFE50] =	vst v0  }
0xd9: {  	s19 =	sor.u32 s22, s21;
	[tilespmem:s18+$0xFE60] =	vst v0  }
0xda: {  	[tilespmem:s19+$0xFE70] =	vst v0  }
0xdb: {  	[tilespmem:s19+$0xF200] =	vst v0  }
0xdc: {  	[tilespmem:s19+$0xF210] =	vst v0  }
0xdd: {  	[tilespmem:s19+$0xF220] =	vst v0  }
0xde: {  	[tilespmem:s19+$0xF230] =	vst v0  }
0xdf: {  	[tilespmem:s19+$0xF240] =	vst v0  }
0xe0: {  	[tilespmem:s19+$0xF250] =	vst v0  }
0xe1: {  	[tilespmem:s19+$0xF260] =	vst v0  }
0xe2: {  	[tilespmem:s19+$0xF270] =	vst v0  }
0xe3: {  	[tilespmem:s19+$0xF600] =	vst v0  }
0xe4: {  	[tilespmem:s19+$0xF610] =	vst v0  }
0xe5: {  	[tilespmem:s19+$0xF620] =	vst v0  }
0xe6: {  	[tilespmem:s19+$0xF630] =	vst v0  }
0xe7: {  	[tilespmem:s19+$0xF640] =	vst v0  }
0xe8: {  	[tilespmem:s19+$0xF650] =	vst v0  }
0xe9: {  	[tilespmem:s19+$0xF660] =	vst v0  }
0xea: {  	[tilespmem:s19+$0xF670] =	vst v0  }
0xeb: {  	[tilespmem:s19+$0xFA00] =	vst v0  }
0xec: {  	[tilespmem:s19+$0xFA10] =	vst v0  }
0xed: {  	[tilespmem:s19+$0xFA20] =	vst v0  }
0xee: {  	[tilespmem:s19+$0xFA30] =	vst v0  }
0xef: {  	[tilespmem:s19+$0xFA40] =	vst v0  }
0xf0: {  	[tilespmem:s19+$0xFA50] =	vst v0  }
0xf1: {  	[tilespmem:s19+$0xFA60] =	vst v0  }
0xf2: {  	[tilespmem:s19+$0xFA70] =	vst v0  }
0xf3: {  	[tilespmem:s19+$0xFE00] =	vst v0  }
0xf4: {  	[tilespmem:s19+$0xFE10] =	vst v0  }
0xf5: {  	[tilespmem:s19+$0xFE20] =	vst v0  }
0xf6: {  	[tilespmem:s19+$0xFE30] =	vst v0  }
0xf7: {  	[tilespmem:s19+$0xFE40] =	vst v0  }
0xf8: {  	[tilespmem:s19+$0xFE50] =	vst v0  }
0xf9: {  	s18 =	simm.s32 $0x20;
	[tilespmem:s19+$0xFE60] =	vst v0  }
.LBB2_8:
0xfa: {  	v3 =	vld [tilespmem:s18+$0xFFFFFFE0];
	_ =	sdelay $0x2  }
0xfb: {  	v4 =	vmov s17;
	v6 =	vor.u32 s17, v1  }
0xfc: {  	v4 =	vshll.u32 v4, $0x3;
	v6 =	vand.u32 $0x4F, v6  }
0xfd: {  	v4 =	vand.u32 $0xC00, v4;
	v5 =	vadd.s32 $0xFFFFFD30, v3;
	v3 =	vshll.u32 v3, $0x7  }
0xfe: {  	v4 =	vor.u32 v4, v6;
	v47 =	vshll.u32 v5, $0x9;
	v3 =	vand.u32 $0x380, v3  }
0xff: {  	vm0 =	vlt.u32 v5, $0x78;
	v48 =	vand.u32 $0xFFFFF000, v47;
	v3 =	vor.u32 v3, v4  }
0x100: {  	v3 =	vor.u32 v48, v3;
	_ =	sdelay $0x4  }
0x101: {  	[tilespmem:v3+s13+$0x0] =	vst.idx.msk vm0, v2  }
0x102: {  	v3 =	vld [tilespmem:s18+$0xFFFFFFF0];
	_ =	sdelay $0x1  }
0x103: {  	s19 =	sadd.s32 $0x10, s17  }
0x104: {  	v49 =	vmov s19;
	v51 =	vor.u32 s19, v1  }
0x105: {  	v6 =	vand.u32 $0x5F, v51;
	v4 =	vshll.u32 v49, $0x3  }
0x106: {  	v4 =	vand.u32 $0xC00, v4;
	v50 =	vadd.s32 $0xFFFFFD30, v3;
	v3 =	vshll.u32 v3, $0x7  }
0x107: {  	v4 =	vor.u32 v4, v6;
	v52 =	vshll.u32 v50, $0x9;
	v3 =	vand.u32 $0x380, v3  }
0x108: {  	vm13 =	vlt.u32 v50, $0x78;
	v53 =	vand.u32 $0xFFFFF000, v52;
	v3 =	vor.u32 v3, v4  }
0x109: {  	v3 =	vor.u32 v53, v3;
	_ =	sdelay $0x4  }
0x10a: {  	[tilespmem:v3+s13+$0x0] =	vst.idx.msk vm13, v2  }
0x10b: {  	v3 =	vld [tilespmem:s18+$0x0];
	_ =	sdelay $0x1  }
0x10c: {  	s30 =	sadd.s32 $0x20, s17  }
0x10d: {  	v54 =	vmov s30;
	v56 =	vor.u32 s30, v1  }
0x10e: {  	v6 =	vand.u32 $0x6F, v56;
	v4 =	vshll.u32 v54, $0x3  }
0x10f: {  	v4 =	vand.u32 $0xC00, v4;
	v55 =	vadd.s32 $0xFFFFFD30, v3;
	v3 =	vshll.u32 v3, $0x7  }
0x110: {  	v4 =	vor.u32 v4, v6;
	v57 =	vshll.u32 v55, $0x9;
	v3 =	vand.u32 $0x380, v3  }
0x111: {  	vm14 =	vlt.u32 v55, $0x78;
	v58 =	vand.u32 $0xFFFFF000, v57;
	v3 =	vor.u32 v3, v4  }
0x112: {  	v3 =	vor.u32 v58, v3;
	_ =	sdelay $0x4  }
0x113: {  	[tilespmem:v3+s13+$0x0] =	vst.idx.msk vm14, v2  }
0x114: {  	v3 =	vld [tilespmem:s18+$0x10];
	_ =	sdelay $0x1  }
0x115: {  	s31 =	sadd.s32 $0x30, s17  }
0x116: {  	v59 =	vmov s31;
	v61 =	vor.u32 s31, v1  }
0x117: {  	v6 =	vand.u32 $0x7F, v61;
	v4 =	vshll.u32 v59, $0x3  }
0x118: {  	v4 =	vand.u32 $0xC00, v4;
	v60 =	vadd.s32 $0xFFFFFD30, v3;
	v3 =	vshll.u32 v3, $0x7  }
0x119: {  	v4 =	vor.u32 v4, v6;
	v62 =	vshll.u32 v60, $0x9;
	v3 =	vand.u32 $0x380, v3  }
0x11a: {  	vm15 =	vlt.u32 v60, $0x78;
	v63 =	vand.u32 $0xFFFFF000, v62;
	v3 =	vor.u32 v3, v4  }
0x11b: {  	p0 =	sne.s32 s17, $0x1C0;
	v3 =	vor.u32 v63, v3  }
.Ltmp3:
0x11c: {  	_ = 	snop;
	(pc) =	sbr.rel @p0 .LBB2_8-.Ltmp3, $2  }
0x11d: {  	_ =	sdelay $0x2  }
0x11e: {  	s17 =	sadd.s32 $0x40, s17;
	s18 =	sadd.s32 $0x40, s18;
	[tilespmem:v3+s13+$0x0] =	vst.idx.msk vm15, v2  }
0x11f: {  	[hbm4b:s5+s11] =	stream.strided.scatter [tilespmem:s13], [sflag:$0x2], $0xF000, s12, s11, $0x38;
	[tilespmem:$0x1E200] =	vst v63  }
0x120: {  	_ =	swait.ge [sflag:s14], $0xF000  }
0x121: {  	s17 =	simm.s32 $0x0;
	s18 =	simm.s32 $0x20;
	[sflag:s14] =	ssyncset.done $0x0  }
0x122: {  	s19 =	simm.s32 $0x20;
	s20 =	simm.s32 $0x0;
	[sflag:s14] =	ssyncadd.s32 $0xFFFF1000  }
.LBB2_10:
0x123: {  	v3 =	vld [tilespmem:s19+$0xFFFFFFE0];
	_ =	sdelay $0x2  }
0x124: {  	v4 =	vmov s20;
	v6 =	vor.u32 s20, v1  }
0x125: {  	v4 =	vshll.u32 v4, $0x3;
	v6 =	vand.u32 $0x4F, v6  }
0x126: {  	v4 =	vand.u32 $0xC00, v4;
	v5 =	vadd.s32 $0xFFFFFDA8, v3;
	v3 =	vshll.u32 v3, $0x7  }
0x127: {  	v4 =	vor.u32 v4, v6;
	v47 =	vshll.u32 v5, $0x9;
	v3 =	vand.u32 $0x380, v3  }
0x128: {  	vm0 =	vlt.u32 v5, $0x78;
	v48 =	vand.u32 $0xFFFFF000, v47;
	v3 =	vor.u32 v3, v4  }
0x129: {  	v3 =	vor.u32 v48, v3;
	_ =	sdelay $0x4  }
0x12a: {  	[tilespmem:v3+s10+$0x0] =	vst.idx.msk vm0, v0  }
0x12b: {  	v3 =	vld [tilespmem:s19+$0xFFFFFFF0];
	_ =	sdelay $0x1  }
0x12c: {  	s21 =	sadd.s32 $0x10, s20  }
0x12d: {  	v49 =	vmov s21;
	v51 =	vor.u32 s21, v1  }
0x12e: {  	v6 =	vand.u32 $0x5F, v51;
	v4 =	vshll.u32 v49, $0x3  }
0x12f: {  	v4 =	vand.u32 $0xC00, v4;
	v50 =	vadd.s32 $0xFFFFFDA8, v3;
	v3 =	vshll.u32 v3, $0x7  }
0x130: {  	v4 =	vor.u32 v4, v6;
	v52 =	vshll.u32 v50, $0x9;
	v3 =	vand.u32 $0x380, v3  }
0x131: {  	vm13 =	vlt.u32 v50, $0x78;
	v53 =	vand.u32 $0xFFFFF000, v52;
	v3 =	vor.u32 v3, v4  }
0x132: {  	v3 =	vor.u32 v53, v3;
	_ =	sdelay $0x4  }
0x133: {  	[tilespmem:v3+s10+$0x0] =	vst.idx.msk vm13, v0  }
0x134: {  	v3 =	vld [tilespmem:s19+$0x0];
	_ =	sdelay $0x1  }
0x135: {  	s30 =	sadd.s32 $0x20, s20  }
0x136: {  	v54 =	vmov s30;
	v56 =	vor.u32 s30, v1  }
0x137: {  	v6 =	vand.u32 $0x6F, v56;
	v4 =	vshll.u32 v54, $0x3  }
0x138: {  	v4 =	vand.u32 $0xC00, v4;
	v55 =	vadd.s32 $0xFFFFFDA8, v3;
	v3 =	vshll.u32 v3, $0x7  }
0x139: {  	v4 =	vor.u32 v4, v6;
	v57 =	vshll.u32 v55, $0x9;
	v3 =	vand.u32 $0x380, v3  }
0x13a: {  	vm14 =	vlt.u32 v55, $0x78;
	v58 =	vand.u32 $0xFFFFF000, v57;
	v3 =	vor.u32 v3, v4  }
0x13b: {  	v3 =	vor.u32 v58, v3;
	_ =	sdelay $0x4  }
0x13c: {  	[tilespmem:v3+s10+$0x0] =	vst.idx.msk vm14, v0  }
0x13d: {  	v3 =	vld [tilespmem:s19+$0x10];
	_ =	sdelay $0x1  }
0x13e: {  	s31 =	sadd.s32 $0x30, s20  }
0x13f: {  	v59 =	vmov s31;
	v61 =	vor.u32 s31, v1  }
0x140: {  	v6 =	vand.u32 $0x7F, v61;
	v4 =	vshll.u32 v59, $0x3  }
0x141: {  	v4 =	vand.u32 $0xC00, v4;
	v60 =	vadd.s32 $0xFFFFFDA8, v3;
	v3 =	vshll.u32 v3, $0x7  }
0x142: {  	v4 =	vor.u32 v4, v6;
	v62 =	vshll.u32 v60, $0x9;
	v3 =	vand.u32 $0x380, v3  }
0x143: {  	vm15 =	vlt.u32 v60, $0x78;
	v63 =	vand.u32 $0xFFFFF000, v62;
	v3 =	vor.u32 v3, v4  }
0x144: {  	p0 =	sne.s32 s20, $0x1C0;
	v3 =	vor.u32 v63, v3  }
.Ltmp4:
0x145: {  	_ = 	snop;
	(pc) =	sbr.rel @p0 .LBB2_10-.Ltmp4, $2  }
0x146: {  	_ =	sdelay $0x2  }
0x147: {  	s20 =	sadd.s32 $0x40, s20;
	s19 =	sadd.s32 $0x40, s19;
	[tilespmem:v3+s10+$0x0] =	vst.idx.msk vm15, v0  }
.LBB2_11:
0x148: {  	v3 =	vld [tilespmem:s18+$0xFFFFFFE0];
	_ =	sdelay $0x2  }
0x149: {  	v4 =	vmov s17;
	v6 =	vor.u32 s17, v1  }
0x14a: {  	v4 =	vshll.u32 v4, $0x3;
	v6 =	vand.u32 $0x4F, v6  }
0x14b: {  	v4 =	vand.u32 $0xC00, v4;
	v5 =	vadd.s32 $0xFFFFFCB8, v3;
	v3 =	vshll.u32 v3, $0x7  }
0x14c: {  	v4 =	vor.u32 v4, v6;
	v47 =	vshll.u32 v5, $0x9;
	v3 =	vand.u32 $0x380, v3  }
0x14d: {  	vm0 =	vlt.u32 v5, $0x78;
	v48 =	vand.u32 $0xFFFFF000, v47;
	v3 =	vor.u32 v3, v4  }
0x14e: {  	v3 =	vor.u32 v48, v3;
	_ =	sdelay $0x4  }
0x14f: {  	[tilespmem:v3+s10+$0x0] =	vst.idx.msk vm0, v2  }
0x150: {  	v3 =	vld [tilespmem:s18+$0xFFFFFFF0];
	_ =	sdelay $0x1  }
0x151: {  	s19 =	sadd.s32 $0x10, s17  }
0x152: {  	v49 =	vmov s19;
	v51 =	vor.u32 s19, v1  }
0x153: {  	v6 =	vand.u32 $0x5F, v51;
	v4 =	vshll.u32 v49, $0x3  }
0x154: {  	v4 =	vand.u32 $0xC00, v4;
	v50 =	vadd.s32 $0xFFFFFCB8, v3;
	v3 =	vshll.u32 v3, $0x7  }
0x155: {  	v4 =	vor.u32 v4, v6;
	v52 =	vshll.u32 v50, $0x9;
	v3 =	vand.u32 $0x380, v3  }
0x156: {  	vm13 =	vlt.u32 v50, $0x78;
	v53 =	vand.u32 $0xFFFFF000, v52;
	v3 =	vor.u32 v3, v4  }
0x157: {  	v3 =	vor.u32 v53, v3;
	_ =	sdelay $0x4  }
0x158: {  	[tilespmem:v3+s10+$0x0] =	vst.idx.msk vm13, v2  }
0x159: {  	v3 =	vld [tilespmem:s18+$0x0];
	_ =	sdelay $0x1  }
0x15a: {  	s30 =	sadd.s32 $0x20, s17  }
0x15b: {  	v54 =	vmov s30;
	v56 =	vor.u32 s30, v1  }
0x15c: {  	v6 =	vand.u32 $0x6F, v56;
	v4 =	vshll.u32 v54, $0x3  }
0x15d: {  	v4 =	vand.u32 $0xC00, v4;
	v55 =	vadd.s32 $0xFFFFFCB8, v3;
	v3 =	vshll.u32 v3, $0x7  }
0x15e: {  	v4 =	vor.u32 v4, v6;
	v57 =	vshll.u32 v55, $0x9;
	v3 =	vand.u32 $0x380, v3  }
0x15f: {  	vm14 =	vlt.u32 v55, $0x78;
	v58 =	vand.u32 $0xFFFFF000, v57;
	v3 =	vor.u32 v3, v4  }
0x160: {  	v3 =	vor.u32 v58, v3;
	_ =	sdelay $0x4  }
0x161: {  	[tilespmem:v3+s10+$0x0] =	vst.idx.msk vm14, v2  }
0x162: {  	v3 =	vld [tilespmem:s18+$0x10];
	_ =	sdelay $0x1  }
0x163: {  	s31 =	sadd.s32 $0x30, s17  }
0x164: {  	v59 =	vmov s31;
	v61 =	vor.u32 s31, v1  }
0x165: {  	v6 =	vand.u32 $0x7F, v61;
	v4 =	vshll.u32 v59, $0x3  }
0x166: {  	v4 =	vand.u32 $0xC00, v4;
	v60 =	vadd.s32 $0xFFFFFCB8, v3;
	v3 =	vshll.u32 v3, $0x7  }
0x167: {  	v4 =	vor.u32 v4, v6;
	v62 =	vshll.u32 v60, $0x9;
	v3 =	vand.u32 $0x380, v3  }
0x168: {  	vm15 =	vlt.u32 v60, $0x78;
	v63 =	vand.u32 $0xFFFFF000, v62;
	v3 =	vor.u32 v3, v4  }
0x169: {  	p0 =	sne.s32 s17, $0x1C0;
	v3 =	vor.u32 v63, v3  }
.Ltmp5:
0x16a: {  	_ = 	snop;
	(pc) =	sbr.rel @p0 .LBB2_11-.Ltmp5, $2  }
0x16b: {  	_ =	sdelay $0x2  }
0x16c: {  	s17 =	sadd.s32 $0x40, s17;
	s18 =	sadd.s32 $0x40, s18;
	[tilespmem:v3+s10+$0x0] =	vst.idx.msk vm15, v2  }
0x16d: {  	[hbm4b:s6+s11] =	stream.strided.scatter [tilespmem:s10], [sflag:$0x1], $0xF000, s12, s11, $0x38;
	[tilespmem:$0x1E200] =	vst v63  }
0x16e: {  	_ =	swait.ge [sflag:s15], $0xF000  }
0x16f: {  	s17 =	simm.s32 $0x0;
	s18 =	simm.s32 $0x20;
	[sflag:s15] =	ssyncset.done $0x0  }
0x170: {  	s19 =	simm.s32 $0x20;
	s20 =	simm.s32 $0x0;
	[sflag:s15] =	ssyncadd.s32 $0xFFFF1000  }
.LBB2_13:
0x171: {  	v3 =	vld [tilespmem:s19+$0xFFFFFFE0];
	_ =	sdelay $0x2  }
0x172: {  	v4 =	vmov s20;
	v6 =	vor.u32 s20, v1  }
0x173: {  	v4 =	vshll.u32 v4, $0x3;
	v6 =	vand.u32 $0x4F, v6  }
0x174: {  	v4 =	vand.u32 $0xC00, v4;
	v5 =	vadd.s32 $0xFFFFFD30, v3;
	v3 =	vshll.u32 v3, $0x7  }
0x175: {  	v4 =	vor.u32 v4, v6;
	v47 =	vshll.u32 v5, $0x9;
	v3 =	vand.u32 $0x380, v3  }
0x176: {  	vm0 =	vlt.u32 v5, $0x78;
	v48 =	vand.u32 $0xFFFFF000, v47;
	v3 =	vor.u32 v3, v4  }
0x177: {  	v3 =	vor.u32 v48, v3;
	_ =	sdelay $0x4  }
0x178: {  	[tilespmem:v3+s13+$0x0] =	vst.idx.msk vm0, v0  }
0x179: {  	v3 =	vld [tilespmem:s19+$0xFFFFFFF0];
	_ =	sdelay $0x1  }
0x17a: {  	s21 =	sadd.s32 $0x10, s20  }
0x17b: {  	v49 =	vmov s21;
	v51 =	vor.u32 s21, v1  }
0x17c: {  	v6 =	vand.u32 $0x5F, v51;
	v4 =	vshll.u32 v49, $0x3  }
0x17d: {  	v4 =	vand.u32 $0xC00, v4;
	v50 =	vadd.s32 $0xFFFFFD30, v3;
	v3 =	vshll.u32 v3, $0x7  }
0x17e: {  	v4 =	vor.u32 v4, v6;
	v52 =	vshll.u32 v50, $0x9;
	v3 =	vand.u32 $0x380, v3  }
0x17f: {  	vm13 =	vlt.u32 v50, $0x78;
	v53 =	vand.u32 $0xFFFFF000, v52;
	v3 =	vor.u32 v3, v4  }
0x180: {  	v3 =	vor.u32 v53, v3;
	_ =	sdelay $0x4  }
0x181: {  	[tilespmem:v3+s13+$0x0] =	vst.idx.msk vm13, v0  }
0x182: {  	v3 =	vld [tilespmem:s19+$0x0];
	_ =	sdelay $0x1  }
0x183: {  	s30 =	sadd.s32 $0x20, s20  }
0x184: {  	v54 =	vmov s30;
	v56 =	vor.u32 s30, v1  }
0x185: {  	v6 =	vand.u32 $0x6F, v56;
	v4 =	vshll.u32 v54, $0x3  }
0x186: {  	v4 =	vand.u32 $0xC00, v4;
	v55 =	vadd.s32 $0xFFFFFD30, v3;
	v3 =	vshll.u32 v3, $0x7  }
0x187: {  	v4 =	vor.u32 v4, v6;
	v57 =	vshll.u32 v55, $0x9;
	v3 =	vand.u32 $0x380, v3  }
0x188: {  	vm14 =	vlt.u32 v55, $0x78;
	v58 =	vand.u32 $0xFFFFF000, v57;
	v3 =	vor.u32 v3, v4  }
0x189: {  	v3 =	vor.u32 v58, v3;
	_ =	sdelay $0x4  }
0x18a: {  	[tilespmem:v3+s13+$0x0] =	vst.idx.msk vm14, v0  }
0x18b: {  	v3 =	vld [tilespmem:s19+$0x10];
	_ =	sdelay $0x1  }
0x18c: {  	s31 =	sadd.s32 $0x30, s20  }
0x18d: {  	v59 =	vmov s31;
	v61 =	vor.u32 s31, v1  }
0x18e: {  	v6 =	vand.u32 $0x7F, v61;
	v4 =	vshll.u32 v59, $0x3  }
0x18f: {  	v4 =	vand.u32 $0xC00, v4;
	v60 =	vadd.s32 $0xFFFFFD30, v3;
	v3 =	vshll.u32 v3, $0x7  }
0x190: {  	v4 =	vor.u32 v4, v6;
	v62 =	vshll.u32 v60, $0x9;
	v3 =	vand.u32 $0x380, v3  }
0x191: {  	vm15 =	vlt.u32 v60, $0x78;
	v63 =	vand.u32 $0xFFFFF000, v62;
	v3 =	vor.u32 v3, v4  }
0x192: {  	p0 =	sne.s32 s20, $0x1C0;
	v3 =	vor.u32 v63, v3  }
.Ltmp6:
0x193: {  	_ = 	snop;
	(pc) =	sbr.rel @p0 .LBB2_13-.Ltmp6, $2  }
0x194: {  	_ =	sdelay $0x2  }
0x195: {  	s20 =	sadd.s32 $0x40, s20;
	s19 =	sadd.s32 $0x40, s19;
	[tilespmem:v3+s13+$0x0] =	vst.idx.msk vm15, v0  }
.LBB2_14:
0x196: {  	v3 =	vld [tilespmem:s18+$0xFFFFFFE0];
	_ =	sdelay $0x2  }
0x197: {  	v4 =	vmov s17;
	v6 =	vor.u32 s17, v1  }
0x198: {  	v4 =	vshll.u32 v4, $0x3;
	v6 =	vand.u32 $0x4F, v6  }
0x199: {  	v4 =	vand.u32 $0xC00, v4;
	v5 =	vadd.s32 $0xFFFFFC40, v3;
	v3 =	vshll.u32 v3, $0x7  }
0x19a: {  	v4 =	vor.u32 v4, v6;
	v47 =	vshll.u32 v5, $0x9;
	v3 =	vand.u32 $0x380, v3  }
0x19b: {  	vm0 =	vlt.u32 v5, $0x28;
	v48 =	vand.u32 $0xFFFFF000, v47;
	v3 =	vor.u32 v3, v4  }
0x19c: {  	v3 =	vor.u32 v48, v3;
	_ =	sdelay $0x4  }
0x19d: {  	[tilespmem:v3+s13+$0x0] =	vst.idx.msk vm0, v2  }
0x19e: {  	v3 =	vld [tilespmem:s18+$0xFFFFFFF0];
	_ =	sdelay $0x1  }
0x19f: {  	s19 =	sadd.s32 $0x10, s17  }
0x1a0: {  	v49 =	vmov s19;
	v51 =	vor.u32 s19, v1  }
0x1a1: {  	v6 =	vand.u32 $0x5F, v51;
	v4 =	vshll.u32 v49, $0x3  }
0x1a2: {  	v4 =	vand.u32 $0xC00, v4;
	v50 =	vadd.s32 $0xFFFFFC40, v3;
	v3 =	vshll.u32 v3, $0x7  }
0x1a3: {  	v4 =	vor.u32 v4, v6;
	v52 =	vshll.u32 v50, $0x9;
	v3 =	vand.u32 $0x380, v3  }
0x1a4: {  	vm13 =	vlt.u32 v50, $0x28;
	v53 =	vand.u32 $0xFFFFF000, v52;
	v3 =	vor.u32 v3, v4  }
0x1a5: {  	v3 =	vor.u32 v53, v3;
	_ =	sdelay $0x4  }
0x1a6: {  	[tilespmem:v3+s13+$0x0] =	vst.idx.msk vm13, v2  }
0x1a7: {  	v3 =	vld [tilespmem:s18+$0x0];
	_ =	sdelay $0x1  }
0x1a8: {  	s30 =	sadd.s32 $0x20, s17  }
0x1a9: {  	v54 =	vmov s30;
	v56 =	vor.u32 s30, v1  }
0x1aa: {  	v6 =	vand.u32 $0x6F, v56;
	v4 =	vshll.u32 v54, $0x3  }
0x1ab: {  	v4 =	vand.u32 $0xC00, v4;
	v55 =	vadd.s32 $0xFFFFFC40, v3;
	v3 =	vshll.u32 v3, $0x7  }
0x1ac: {  	v4 =	vor.u32 v4, v6;
	v57 =	vshll.u32 v55, $0x9;
	v3 =	vand.u32 $0x380, v3  }
0x1ad: {  	vm14 =	vlt.u32 v55, $0x28;
	v58 =	vand.u32 $0xFFFFF000, v57;
	v3 =	vor.u32 v3, v4  }
0x1ae: {  	v3 =	vor.u32 v58, v3;
	_ =	sdelay $0x4  }
0x1af: {  	[tilespmem:v3+s13+$0x0] =	vst.idx.msk vm14, v2  }
0x1b0: {  	v3 =	vld [tilespmem:s18+$0x10];
	_ =	sdelay $0x1  }
0x1b1: {  	s31 =	sadd.s32 $0x30, s17  }
0x1b2: {  	v59 =	vmov s31;
	v61 =	vor.u32 s31, v1  }
0x1b3: {  	v6 =	vand.u32 $0x7F, v61;
	v4 =	vshll.u32 v59, $0x3  }
0x1b4: {  	v4 =	vand.u32 $0xC00, v4;
	v60 =	vadd.s32 $0xFFFFFC40, v3;
	v3 =	vshll.u32 v3, $0x7  }
0x1b5: {  	v4 =	vor.u32 v4, v6;
	v62 =	vshll.u32 v60, $0x9;
	v3 =	vand.u32 $0x380, v3  }
0x1b6: {  	vm15 =	vlt.u32 v60, $0x28;
	v63 =	vand.u32 $0xFFFFF000, v62;
	v3 =	vor.u32 v3, v4  }
0x1b7: {  	p0 =	sne.s32 s17, $0x1C0;
	v3 =	vor.u32 v63, v3  }
.Ltmp7:
0x1b8: {  	_ = 	snop;
	(pc) =	sbr.rel @p0 .LBB2_14-.Ltmp7, $2  }
0x1b9: {  	_ =	sdelay $0x2  }
0x1ba: {  	s17 =	sadd.s32 $0x40, s17;
	s18 =	sadd.s32 $0x40, s18;
	[tilespmem:v3+s13+$0x0] =	vst.idx.msk vm15, v2  }
0x1bb: {  	[hbm4b:s7+s11] =	stream.strided.scatter [tilespmem:s13], [sflag:$0x2], $0x5000, s12, s11, $0x38;
	[tilespmem:$0x1E200] =	vst v63  }
0x1bc: {  	s16 =	sadd.s32 $0x1, s16  }
0x1bd: {  	_ =	swait.ge [sflag:s14], $0xF000;
	p0 =	sne.s32 s16, s8  }
.Ltmp8:
0x1be: {  	[sflag:s14] =	ssyncset.done $0x0;
	(pc) =	sbr.rel @p0 .LBB2_1-.Ltmp8, $4  }
0x1bf: {  	[sflag:s14] =	ssyncadd.s32 $0xFFFF1000  }
0x1c0: {  	_ =	swait.ge [sflag:s15], $0x5000  }
0x1c1: {  	[sflag:s15] =	ssyncset.done $0x0  }
0x1c2: {  	[sflag:s15] =	ssyncadd.s32 $0xFFFFB000  }
0x1c3: {  	_ =	sfence.sel $0x180000  }
0x1c4: {  	[bflag:$0x0] =	sbarrier.arrive $0xFFFF  }
0x1c5: {  	p0 =	sne.s32 s1, $0x0;
	_ =	strace $0x90000047  }
0x1c6: {  	s0 =	sadd.s32 @!p0 $0x100000, s0;
	[bflag:$0x2] =	sbarrier.arrive $0xFFFF  }
0x1c7: {  	[sflag:s0] =	ssyncadd.tile.s32 @!p0 $0x1;
	_ =	shalt  }
.Lfunc_end2:
_tile_overlayer_lowered:
.L_overlay_start_2:
0x1c8: {  	(tag) =	ssettag $0x2  }
0x1c9: {  	s0 =	rddreg [dreg:$0x0];
	s2 =	stileid.u32  }
0x1ca: {  	s1 =	rddreg [dreg:$0x1];
	p0 =	sne.s32 s2, $0x0  }
0x1cb: {  	s3 =	rddreg [dreg:$0x2];
	[bflag:$0x3] =	sbarrier.arrive $0xFFFF;
	s2 =	simm.s32 @!p0 $0x1C03  }
0x1cc: {  	[timem:s3], [sflag:s2] =	dma.local @!p0 [hbm:s0], s1  }
0x1cd: {  	s0 =	simm.s32 @!p0 $0x3  }
0x1ce: {  	_ =	swait.ge @!p0 [sflag:s0], s1  }
0x1cf: {  	s1 =	ssub.s32 @!p0 $0x0, s1;
	[sflag:s0] =	ssyncset.done @!p0 $0x0  }
0x1d0: {  	[sflag:s0] =	ssyncadd.s32 @!p0 s1  }
0x1d1: {  	[bflag:$0x3] =	sbarrier.arrive $0xFFFF  }
0x1d2: {  	_ =	shalt  }

</sc_bundles>
